<compile_context>
chip_gen: v7x
topology: tpu7x:2x2x1
jax: 0.10.2.dev20260603
libtpu: 0.0.44.dev20260713+nightly
codegen_flags: <defaults>
</compile_context>

<pallas_src>
import functools

import jax
import jax.numpy as jnp
from jax import lax
from jax.experimental import pallas as pl
from jax.experimental.pallas import tpu as pltpu
from jax.experimental.pallas import tpu_sc as plsc


def _sc_gather(idx, lpe, *, rows_per_w, chunk):
    n_chunks = rows_per_w // chunk
    S = idx.shape[0]
    D = lpe.shape[1]
    mesh = plsc.VectorSubcoreMesh(core_axis_name="c", subcore_axis_name="s")

    @functools.partial(
        pl.kernel,
        out_type=jax.ShapeDtypeStruct((S, D), jnp.float32),
        mesh=mesh,
        scratch_types=[
            pltpu.VMEM((rows_per_w,), jnp.int32),
            pltpu.VMEM((2, chunk, D), jnp.float32),
            pltpu.SemaphoreType.DMA((2,)),
            pltpu.SemaphoreType.DMA((2,)),
        ],
    )
    def k(idx_hbm, lpe_hbm, pe_hbm, idx_all, buf, sem_g, sem_o):
        wid = lax.axis_index("s") * 2 + lax.axis_index("c")
        base = wid * rows_per_w
        pltpu.sync_copy(idx_hbm.at[pl.ds(base, rows_per_w)], idx_all)

        def gather(c, b):
            pltpu.async_copy(
                lpe_hbm.at[idx_all.at[pl.ds(c * chunk, chunk)]],
                buf.at[b],
                sem_g.at[b],
            )

        def wait_gather(b):
            pltpu.make_async_copy(lpe_hbm.at[pl.ds(0, chunk)], buf.at[b], sem_g.at[b]).wait()

        def wait_out(b):
            pltpu.make_async_copy(buf.at[b], pe_hbm.at[pl.ds(0, chunk)], sem_o.at[b]).wait()

        gather(0, 0)

        def step(c, carry):
            b = lax.rem(c, 2)
            nxt = c + 1

            @pl.when(nxt < n_chunks)
            def _():
                @pl.when(c >= 1)
                def _():
                    wait_out(lax.rem(nxt, 2))

                gather(nxt, lax.rem(nxt, 2))

            wait_gather(b)
            pltpu.async_copy(buf.at[b], pe_hbm.at[pl.ds(base + c * chunk, chunk)], sem_o.at[b])
            return carry

        lax.fori_loop(0, n_chunks, step, 0)
        for c_last in range(max(0, n_chunks - 2), n_chunks):
            wait_out(c_last % 2)

    return k(idx, lpe)


def _tc_add(x, pe, *, bs, blk0, prev=None):
    Sk = pe.shape[0]
    S, B, D = x.shape

    if prev is None:

        def body(x_ref, pe_ref, o_ref):
            o_ref[...] = x_ref[...] + pe_ref[...][:, None, :]

        extra_specs = []
        operands = ()
        aliases = {}
    else:

        def body(prev_ref, x_ref, pe_ref, o_ref):
            del prev_ref
            o_ref[...] = x_ref[...] + pe_ref[...][:, None, :]

        extra_specs = [pl.BlockSpec(memory_space=pl.ANY)]
        operands = (prev,)
        aliases = {0: 0}

    return pl.pallas_call(
        body,
        grid=(Sk // bs,),
        in_specs=extra_specs
        + [
            pl.BlockSpec((bs, B, D), lambda i: (i + blk0, 0, 0)),
            pl.BlockSpec((bs, D), lambda i: (i, 0)),
        ],
        out_specs=pl.BlockSpec((bs, B, D), lambda i: (i + blk0, 0, 0)),
        out_shape=jax.ShapeDtypeStruct((S, B, D), jnp.float32),
        input_output_aliases=aliases,
    )(*operands, x, pe)


def _pick_chunk(rows_per_w):
    for c in (32, 24, 16, 8):
        if rows_per_w % c == 0:
            return c
    return rows_per_w


def kernel(x, indices, lpe):
    S, B, D = x.shape
    idx = indices.reshape(S).astype(jnp.int32)
    sizes = (512, 3584)
    bs = 256
    out = None
    s0 = 0
    for sk in sizes:
        idx_k = lax.slice_in_dim(idx, s0, s0 + sk)
        rpw = sk // 32
        pe_k = _sc_gather(idx_k, lpe, rows_per_w=rpw, chunk=_pick_chunk(rpw))
        out = _tc_add(x, pe_k, bs=bs, blk0=s0 // bs, prev=out)
        s0 += sk
    return out

# --- scband reference (transcript-rebuilt; emitter-appended) ---
"""Pipeline reference for scband-positional-encoding-33243046871514 (READ-ONLY COPY).

The authoritative reference and input builder live on the scoring server;
editing this copy changes nothing except your own understanding.
"""

import jax, jax.numpy as jnp
import numpy as np

SEQ, BATCH, D_MODEL = 4096, 4, 1024
MAX_LEN = 8192  # table rows = MAX_LEN + 1


def setup_inputs(seed: int = 0) -> dict:
    key = jax.random.key(seed)
    k1, k2, k3 = jax.random.split(key, 3)
    x = jax.random.normal(k1, (SEQ, BATCH, D_MODEL), dtype=jnp.float32)
    indices = jax.random.randint(k2, (SEQ, 1), 0, MAX_LEN + 1)
    lpe = jax.random.normal(k3, (MAX_LEN + 1, D_MODEL), dtype=jnp.float32) * 0.02
    return {"x": x, "indices": indices, "lpe": lpe}


def reference(x, indices, lpe):
    # PositionalEncoding.forward with explicit indices; dropout p=0.0 (identity, eval-style).
    # lpe(indices): embedding lookup -> [SEQ, 1, D_MODEL], broadcasts over batch dim.
    pe = jnp.take(lpe, indices, axis=0)
    out = x + pe
    return out

if __name__ == "__main__":
    import jax
    _d = setup_inputs()
    print(jax.jit(kernel)(*tuple(_d.values())))

</pallas_src>

<mosaic_0001>
#map = affine_map<(d0, d1) -> (0)>
#map1 = affine_map<(d0, d1) -> (0, 0)>
module attributes {stable_mosaic.version = 14 : i64} {
  func.func @k(%arg0: i32, %arg1: i32, %arg2: memref<512xi32, #tpu.memory_space<hbm>>, %arg3: memref<8193x1024xf32, #tpu.memory_space<hbm>>, %arg4: memref<512x1024xf32, #tpu.memory_space<hbm>>, %arg5: memref<16xi32, #tpu.memory_space<vmem>>, %arg6: memref<2x16x1024xf32, #tpu.memory_space<vmem>>, %arg7: memref<2x!tpu.dma_semaphore, #tpu.memory_space<semaphore_mem>>, %arg8: memref<2x!tpu.dma_semaphore, #tpu.memory_space<semaphore_mem>>) attributes {dimension_semantics = [#tpu.dimension_semantics<core_parallel>, #tpu.dimension_semantics<subcore_parallel>], iteration_bounds = array<i64: 2, 16>, scalar_prefetch = 0 : i64, scratch_operands = 4 : i64, tpu.core_type = #tpu.core_type<sc_vector_subcore>, window_params = [{transform_indices = #map}, {transform_indices = #map1}, {transform_indices = #map1}]} {
    %mul3A = arith.constant 2 : i32
    %mul3A_0 = arith.muli %arg1, %mul3A : i32
    %add3A = arith.addi %mul3A_0, %arg0 : i32
    %mul3A_1 = arith.constant 16 : i32
    %mul3A_2 = arith.muli %add3A, %mul3A_1 : i32
    "tpu.region"() ({
      %run_scoped3A = tpu.sem_alloc : memref<!tpu.dma_semaphore, #tpu.memory_space<semaphore_mem>>
      %dma_start3A_72 = tpu.memref_slice %arg2[%mul3A_2] : memref<512xi32, #tpu.memory_space<hbm>> -> memref<16xi32, #tpu.memory_space<hbm>>
      %dma_start3A_73 = tpu.memref_slice %arg2[%mul3A_2] : memref<512xi32, #tpu.memory_space<hbm>> -> memref<16xi32, #tpu.memory_space<hbm>>
      tpu.enqueue_dma source(%dma_start3A_73 : memref<16xi32, #tpu.memory_space<hbm>>) target(%arg5 : memref<16xi32, #tpu.memory_space<vmem>>) target_semaphore(%run_scoped3A : memref<!tpu.dma_semaphore, #tpu.memory_space<semaphore_mem>>)
      %dma_wait3A_74 = tpu.memref_slice %arg2[%mul3A_2] : memref<512xi32, #tpu.memory_space<hbm>> -> memref<16xi32, #tpu.memory_space<hbm>>
      %dma_wait3A_75 = tpu.memref_slice %arg2[%mul3A_2] : memref<512xi32, #tpu.memory_space<hbm>> -> memref<16xi32, #tpu.memory_space<hbm>>
      tpu.wait_dma2 semaphore(%run_scoped3A : memref<!tpu.dma_semaphore, #tpu.memory_space<semaphore_mem>>) src(%dma_wait3A_75 : memref<16xi32, #tpu.memory_space<hbm>>) dst(%arg5 : memref<16xi32, #tpu.memory_space<vmem>>)
      tpu.yield
    }) : () -> ()
    %dma_start3A = arith.constant 0 : i32
    %dma_start3A_3 = arith.constant 0 : i32
    %dma_start3A_4 = arith.constant 0 : i32
    %dma_start3A_5 = arith.constant 0 : i32
    %dma_start3A_6 = tpu.memref_slice %arg6[%dma_start3A, %dma_start3A_4, %dma_start3A_5] : memref<2x16x1024xf32, #tpu.memory_space<vmem>> -> memref<1x16x1024xf32, #tpu.memory_space<vmem>>
    %dma_start3A_7 = tpu.memref_squeeze %dma_start3A_6 : memref<1x16x1024xf32, #tpu.memory_space<vmem>> -> memref<16x1024xf32, #tpu.memory_space<vmem>>
    %dma_start3A_8 = arith.constant 0 : i32
    %dma_start3A_9 = tpu.memref_slice %arg5[%dma_start3A_8] : memref<16xi32, #tpu.memory_space<vmem>> -> memref<16xi32, #tpu.memory_space<vmem>>
    %dma_start3A_10 = arith.constant 0 : i32
    %dma_start3A_11 = arith.constant 0 : i32
    %dma_start3A_12 = tpu.memref_slice %arg3[%dma_start3A_10, %dma_start3A_11] : memref<8193x1024xf32, #tpu.memory_space<hbm>> -> memref<8193x1024xf32, #tpu.memory_space<hbm>>
    %dma_start3A_13 = tpu.memref_slice %arg7[%dma_start3A_3] : memref<2x!tpu.dma_semaphore, #tpu.memory_space<semaphore_mem>> -> memref<1x!tpu.dma_semaphore, #tpu.memory_space<semaphore_mem>>
    %dma_start3A_14 = tpu.memref_squeeze %dma_start3A_13 : memref<1x!tpu.dma_semaphore, #tpu.memory_space<semaphore_mem>> -> memref<!tpu.dma_semaphore, #tpu.memory_space<semaphore_mem>>
    tpu.enqueue_indirect_dma source(%dma_start3A_12 : memref<8193x1024xf32, #tpu.memory_space<hbm>>) target(%dma_start3A_7 : memref<16x1024xf32, #tpu.memory_space<vmem>>) offsets(%dma_start3A_9 : memref<16xi32, #tpu.memory_space<vmem>>) semaphore(%dma_start3A_14 : memref<!tpu.dma_semaphore, #tpu.memory_space<semaphore_mem>>)
    %scan3A = arith.constant 0 : i32
    %scan3A_15 = arith.constant 0 : i32
    %rem3A = arith.constant 2 : i32
    %rem3A_16 = arith.remsi %scan3A_15, %rem3A : i32
    %add3A_17 = arith.constant 1 : i32
    %add3A_18 = arith.addi %scan3A_15, %add3A_17 : i32
    %lt3A = arith.constant 1 : i32
    %lt3A_19 = arith.cmpi slt, %add3A_18, %lt3A : i32
    %convert_element_type3A = arith.extui %lt3A_19 : i1 to i32
    %cond3A = arith.constant 0 : i32
    %cond3A_20 = arith.cmpi ne, %convert_element_type3A, %cond3A : i32
    scf.if %cond3A_20 {
      %ge3A = arith.constant 1 : i32
      %ge3A_72 = arith.cmpi sge, %scan3A_15, %ge3A : i32
      %convert_element_type3A_73 = arith.extui %ge3A_72 : i1 to i32
      %cond3A_74 = arith.constant 0 : i32
      %cond3A_75 = arith.cmpi ne, %convert_element_type3A_73, %cond3A_74 : i32
      scf.if %cond3A_75 {
        %rem3A_90 = arith.constant 2 : i32
        %rem3A_91 = arith.remsi %add3A_18, %rem3A_90 : i32
        %dma_wait3A_92 = arith.constant 0 : i32
        %dma_wait3A_93 = arith.constant 0 : i32
        %dma_wait3A_94 = tpu.memref_slice %arg6[%rem3A_91, %dma_wait3A_92, %dma_wait3A_93] : memref<2x16x1024xf32, #tpu.memory_space<vmem>> -> memref<1x16x1024xf32, #tpu.memory_space<vmem>>
        %dma_wait3A_95 = tpu.memref_squeeze %dma_wait3A_94 : memref<1x16x1024xf32, #tpu.memory_space<vmem>> -> memref<16x1024xf32, #tpu.memory_space<vmem>>
        %dma_wait3A_96 = arith.constant 0 : i32
        %dma_wait3A_97 = arith.constant 0 : i32
        %dma_wait3A_98 = tpu.memref_slice %arg4[%dma_wait3A_96, %dma_wait3A_97] : memref<512x1024xf32, #tpu.memory_space<hbm>> -> memref<16x1024xf32, #tpu.memory_space<hbm>>
        %dma_wait3A_99 = tpu.memref_slice %arg8[%rem3A_91] : memref<2x!tpu.dma_semaphore, #tpu.memory_space<semaphore_mem>> -> memref<1x!tpu.dma_semaphore, #tpu.memory_space<semaphore_mem>>
        %dma_wait3A_100 = tpu.memref_squeeze %dma_wait3A_99 : memref<1x!tpu.dma_semaphore, #tpu.memory_space<semaphore_mem>> -> memref<!tpu.dma_semaphore, #tpu.memory_space<semaphore_mem>>
        %dma_wait3A_101 = arith.constant 0 : i32
        %dma_wait3A_102 = arith.constant 0 : i32
        %dma_wait3A_103 = tpu.memref_slice %arg4[%dma_wait3A_101, %dma_wait3A_102] : memref<512x1024xf32, #tpu.memory_space<hbm>> -> memref<16x1024xf32, #tpu.memory_space<hbm>>
        %dma_wait3A_104 = arith.constant 0 : i32
        %dma_wait3A_105 = arith.constant 0 : i32
        %dma_wait3A_106 = tpu.memref_slice %arg6[%rem3A_91, %dma_wait3A_104, %dma_wait3A_105] : memref<2x16x1024xf32, #tpu.memory_space<vmem>> -> memref<1x16x1024xf32, #tpu.memory_space<vmem>>
        %dma_wait3A_107 = tpu.memref_squeeze %dma_wait3A_106 : memref<1x16x1024xf32, #tpu.memory_space<vmem>> -> memref<16x1024xf32, #tpu.memory_space<vmem>>
        tpu.wait_dma2 semaphore(%dma_wait3A_100 : memref<!tpu.dma_semaphore, #tpu.memory_space<semaphore_mem>>) src(%dma_wait3A_107 : memref<16x1024xf32, #tpu.memory_space<vmem>>) dst(%dma_wait3A_103 : memref<16x1024xf32, #tpu.memory_space<hbm>>)
      } else {
      }
      %rem3A_76 = arith.constant 2 : i32
      %rem3A_77 = arith.remsi %add3A_18, %rem3A_76 : i32
      %mul3A_78 = arith.constant 16 : i32
      %mul3A_79 = arith.muli %add3A_18, %mul3A_78 : i32
      %dma_start3A_80 = arith.constant 0 : i32
      %dma_start3A_81 = arith.constant 0 : i32
      %dma_start3A_82 = tpu.memref_slice %arg6[%rem3A_77, %dma_start3A_80, %dma_start3A_81] : memref<2x16x1024xf32, #tpu.memory_space<vmem>> -> memref<1x16x1024xf32, #tpu.memory_space<vmem>>
      %dma_start3A_83 = tpu.memref_squeeze %dma_start3A_82 : memref<1x16x1024xf32, #tpu.memory_space<vmem>> -> memref<16x1024xf32, #tpu.memory_space<vmem>>
      %dma_start3A_84 = tpu.memref_slice %arg5[%mul3A_79] : memref<16xi32, #tpu.memory_space<vmem>> -> memref<16xi32, #tpu.memory_space<vmem>>
      %dma_start3A_85 = arith.constant 0 : i32
      %dma_start3A_86 = arith.constant 0 : i32
      %dma_start3A_87 = tpu.memref_slice %arg3[%dma_start3A_85, %dma_start3A_86] : memref<8193x1024xf32, #tpu.memory_space<hbm>> -> memref<8193x1024xf32, #tpu.memory_space<hbm>>
      %dma_start3A_88 = tpu.memref_slice %arg7[%rem3A_77] : memref<2x!tpu.dma_semaphore, #tpu.memory_space<semaphore_mem>> -> memref<1x!tpu.dma_semaphore, #tpu.memory_space<semaphore_mem>>
      %dma_start3A_89 = tpu.memref_squeeze %dma_start3A_88 : memref<1x!tpu.dma_semaphore, #tpu.memory_space<semaphore_mem>> -> memref<!tpu.dma_semaphore, #tpu.memory_space<semaphore_mem>>
      tpu.enqueue_indirect_dma source(%dma_start3A_87 : memref<8193x1024xf32, #tpu.memory_space<hbm>>) target(%dma_start3A_83 : memref<16x1024xf32, #tpu.memory_space<vmem>>) offsets(%dma_start3A_84 : memref<16xi32, #tpu.memory_space<vmem>>) semaphore(%dma_start3A_89 : memref<!tpu.dma_semaphore, #tpu.memory_space<semaphore_mem>>)
    } else {
    }
    %dma_wait3A = arith.constant 0 : i32
    %dma_wait3A_21 = arith.constant 0 : i32
    %dma_wait3A_22 = tpu.memref_slice %arg6[%rem3A_16, %dma_wait3A, %dma_wait3A_21] : memref<2x16x1024xf32, #tpu.memory_space<vmem>> -> memref<1x16x1024xf32, #tpu.memory_space<vmem>>
    %dma_wait3A_23 = tpu.memref_squeeze %dma_wait3A_22 : memref<1x16x1024xf32, #tpu.memory_space<vmem>> -> memref<16x1024xf32, #tpu.memory_space<vmem>>
    %dma_wait3A_24 = arith.constant 0 : i32
    %dma_wait3A_25 = arith.constant 0 : i32
    %dma_wait3A_26 = tpu.memref_slice %arg3[%dma_wait3A_24, %dma_wait3A_25] : memref<8193x1024xf32, #tpu.memory_space<hbm>> -> memref<16x1024xf32, #tpu.memory_space<hbm>>
    %dma_wait3A_27 = tpu.memref_slice %arg7[%rem3A_16] : memref<2x!tpu.dma_semaphore, #tpu.memory_space<semaphore_mem>> -> memref<1x!tpu.dma_semaphore, #tpu.memory_space<semaphore_mem>>
    %dma_wait3A_28 = tpu.memref_squeeze %dma_wait3A_27 : memref<1x!tpu.dma_semaphore, #tpu.memory_space<semaphore_mem>> -> memref<!tpu.dma_semaphore, #tpu.memory_space<semaphore_mem>>
    %dma_wait3A_29 = arith.constant 0 : i32
    %dma_wait3A_30 = arith.constant 0 : i32
    %dma_wait3A_31 = tpu.memref_slice %arg6[%rem3A_16, %dma_wait3A_29, %dma_wait3A_30] : memref<2x16x1024xf32, #tpu.memory_space<vmem>> -> memref<1x16x1024xf32, #tpu.memory_space<vmem>>
    %dma_wait3A_32 = tpu.memref_squeeze %dma_wait3A_31 : memref<1x16x1024xf32, #tpu.memory_space<vmem>> -> memref<16x1024xf32, #tpu.memory_space<vmem>>
    %dma_wait3A_33 = arith.constant 0 : i32
    %dma_wait3A_34 = arith.constant 0 : i32
    %dma_wait3A_35 = tpu.memref_slice %arg3[%dma_wait3A_33, %dma_wait3A_34] : memref<8193x1024xf32, #tpu.memory_space<hbm>> -> memref<16x1024xf32, #tpu.memory_space<hbm>>
    tpu.wait_dma2 semaphore(%dma_wait3A_28 : memref<!tpu.dma_semaphore, #tpu.memory_space<semaphore_mem>>) src(%dma_wait3A_35 : memref<16x1024xf32, #tpu.memory_space<hbm>>) dst(%dma_wait3A_32 : memref<16x1024xf32, #tpu.memory_space<vmem>>)
    %mul3A_36 = arith.constant 16 : i32
    %mul3A_37 = arith.muli %scan3A_15, %mul3A_36 : i32
    %add3A_38 = arith.addi %mul3A_2, %mul3A_37 : i32
    %dma_start3A_39 = arith.constant 0 : i32
    %dma_start3A_40 = arith.constant 0 : i32
    %dma_start3A_41 = tpu.memref_slice %arg6[%rem3A_16, %dma_start3A_39, %dma_start3A_40] : memref<2x16x1024xf32, #tpu.memory_space<vmem>> -> memref<1x16x1024xf32, #tpu.memory_space<vmem>>
    %dma_start3A_42 = tpu.memref_squeeze %dma_start3A_41 : memref<1x16x1024xf32, #tpu.memory_space<vmem>> -> memref<16x1024xf32, #tpu.memory_space<vmem>>
    %dma_start3A_43 = arith.constant 0 : i32
    %dma_start3A_44 = tpu.memref_slice %arg4[%add3A_38, %dma_start3A_43] : memref<512x1024xf32, #tpu.memory_space<hbm>> -> memref<16x1024xf32, #tpu.memory_space<hbm>>
    %dma_start3A_45 = tpu.memref_slice %arg8[%rem3A_16] : memref<2x!tpu.dma_semaphore, #tpu.memory_space<semaphore_mem>> -> memref<1x!tpu.dma_semaphore, #tpu.memory_space<semaphore_mem>>
    %dma_start3A_46 = tpu.memref_squeeze %dma_start3A_45 : memref<1x!tpu.dma_semaphore, #tpu.memory_space<semaphore_mem>> -> memref<!tpu.dma_semaphore, #tpu.memory_space<semaphore_mem>>
    %dma_start3A_47 = arith.constant 0 : i32
    %dma_start3A_48 = tpu.memref_slice %arg4[%add3A_38, %dma_start3A_47] : memref<512x1024xf32, #tpu.memory_space<hbm>> -> memref<16x1024xf32, #tpu.memory_space<hbm>>
    %dma_start3A_49 = arith.constant 0 : i32
    %dma_start3A_50 = arith.constant 0 : i32
    %dma_start3A_51 = tpu.memref_slice %arg6[%rem3A_16, %dma_start3A_49, %dma_start3A_50] : memref<2x16x1024xf32, #tpu.memory_space<vmem>> -> memref<1x16x1024xf32, #tpu.memory_space<vmem>>
    %dma_start3A_52 = tpu.memref_squeeze %dma_start3A_51 : memref<1x16x1024xf32, #tpu.memory_space<vmem>> -> memref<16x1024xf32, #tpu.memory_space<vmem>>
    tpu.enqueue_dma source(%dma_start3A_52 : memref<16x1024xf32, #tpu.memory_space<vmem>>) target(%dma_start3A_48 : memref<16x1024xf32, #tpu.memory_space<hbm>>) target_semaphore(%dma_start3A_46 : memref<!tpu.dma_semaphore, #tpu.memory_space<semaphore_mem>>)
    %scan3A_53 = arith.constant 1 : i32
    %dma_wait3A_54 = arith.constant 0 : i32
    %dma_wait3A_55 = arith.constant 0 : i32
    %dma_wait3A_56 = arith.constant 0 : i32
    %dma_wait3A_57 = arith.constant 0 : i32
    %dma_wait3A_58 = tpu.memref_slice %arg6[%dma_wait3A_54, %dma_wait3A_56, %dma_wait3A_57] : memref<2x16x1024xf32, #tpu.memory_space<vmem>> -> memref<1x16x1024xf32, #tpu.memory_space<vmem>>
    %dma_wait3A_59 = tpu.memref_squeeze %dma_wait3A_58 : memref<1x16x1024xf32, #tpu.memory_space<vmem>> -> memref<16x1024xf32, #tpu.memory_space<vmem>>
    %dma_wait3A_60 = arith.constant 0 : i32
    %dma_wait3A_61 = arith.constant 0 : i32
    %dma_wait3A_62 = tpu.memref_slice %arg4[%dma_wait3A_60, %dma_wait3A_61] : memref<512x1024xf32, #tpu.memory_space<hbm>> -> memref<16x1024xf32, #tpu.memory_space<hbm>>
    %dma_wait3A_63 = tpu.memref_slice %arg8[%dma_wait3A_55] : memref<2x!tpu.dma_semaphore, #tpu.memory_space<semaphore_mem>> -> memref<1x!tpu.dma_semaphore, #tpu.memory_space<semaphore_mem>>
    %dma_wait3A_64 = tpu.memref_squeeze %dma_wait3A_63 : memref<1x!tpu.dma_semaphore, #tpu.memory_space<semaphore_mem>> -> memref<!tpu.dma_semaphore, #tpu.memory_space<semaphore_mem>>
    %dma_wait3A_65 = arith.constant 0 : i32
    %dma_wait3A_66 = arith.constant 0 : i32
    %dma_wait3A_67 = tpu.memref_slice %arg4[%dma_wait3A_65, %dma_wait3A_66] : memref<512x1024xf32, #tpu.memory_space<hbm>> -> memref<16x1024xf32, #tpu.memory_space<hbm>>
    %dma_wait3A_68 = arith.constant 0 : i32
    %dma_wait3A_69 = arith.constant 0 : i32
    %dma_wait3A_70 = tpu.memref_slice %arg6[%dma_wait3A_54, %dma_wait3A_68, %dma_wait3A_69] : memref<2x16x1024xf32, #tpu.memory_space<vmem>> -> memref<1x16x1024xf32, #tpu.memory_space<vmem>>
    %dma_wait3A_71 = tpu.memref_squeeze %dma_wait3A_70 : memref<1x16x1024xf32, #tpu.memory_space<vmem>> -> memref<16x1024xf32, #tpu.memory_space<vmem>>
    tpu.wait_dma2 semaphore(%dma_wait3A_64 : memref<!tpu.dma_semaphore, #tpu.memory_space<semaphore_mem>>) src(%dma_wait3A_71 : memref<16x1024xf32, #tpu.memory_space<vmem>>) dst(%dma_wait3A_67 : memref<16x1024xf32, #tpu.memory_space<hbm>>)
    return
  }
}

#map = affine_map<(d0, d1) -> (0)>
#map1 = affine_map<(d0, d1) -> (0, 0)>
module attributes {stable_mosaic.version = 14 : i64} {
  func.func @k(%arg0: i32, %arg1: i32, %arg2: memref<3584xi32, #tpu.memory_space<hbm>>, %arg3: memref<8193x1024xf32, #tpu.memory_space<hbm>>, %arg4: memref<3584x1024xf32, #tpu.memory_space<hbm>>, %arg5: memref<112xi32, #tpu.memory_space<vmem>>, %arg6: memref<2x16x1024xf32, #tpu.memory_space<vmem>>, %arg7: memref<2x!tpu.dma_semaphore, #tpu.memory_space<semaphore_mem>>, %arg8: memref<2x!tpu.dma_semaphore, #tpu.memory_space<semaphore_mem>>) attributes {dimension_semantics = [#tpu.dimension_semantics<core_parallel>, #tpu.dimension_semantics<subcore_parallel>], iteration_bounds = array<i64: 2, 16>, scalar_prefetch = 0 : i64, scratch_operands = 4 : i64, tpu.core_type = #tpu.core_type<sc_vector_subcore>, window_params = [{transform_indices = #map}, {transform_indices = #map1}, {transform_indices = #map1}]} {
    %mul3A = arith.constant 2 : i32
    %mul3A_0 = arith.muli %arg1, %mul3A : i32
    %add3A = arith.addi %mul3A_0, %arg0 : i32
    %mul3A_1 = arith.constant 112 : i32
    %mul3A_2 = arith.muli %add3A, %mul3A_1 : i32
    "tpu.region"() ({
      %run_scoped3A = tpu.sem_alloc : memref<!tpu.dma_semaphore, #tpu.memory_space<semaphore_mem>>
      %dma_start3A_55 = tpu.memref_slice %arg2[%mul3A_2] : memref<3584xi32, #tpu.memory_space<hbm>> -> memref<112xi32, #tpu.memory_space<hbm>>
      %dma_start3A_56 = tpu.memref_slice %arg2[%mul3A_2] : memref<3584xi32, #tpu.memory_space<hbm>> -> memref<112xi32, #tpu.memory_space<hbm>>
      tpu.enqueue_dma source(%dma_start3A_56 : memref<112xi32, #tpu.memory_space<hbm>>) target(%arg5 : memref<112xi32, #tpu.memory_space<vmem>>) target_semaphore(%run_scoped3A : memref<!tpu.dma_semaphore, #tpu.memory_space<semaphore_mem>>)
      %dma_wait3A_57 = tpu.memref_slice %arg2[%mul3A_2] : memref<3584xi32, #tpu.memory_space<hbm>> -> memref<112xi32, #tpu.memory_space<hbm>>
      %dma_wait3A_58 = tpu.memref_slice %arg2[%mul3A_2] : memref<3584xi32, #tpu.memory_space<hbm>> -> memref<112xi32, #tpu.memory_space<hbm>>
      tpu.wait_dma2 semaphore(%run_scoped3A : memref<!tpu.dma_semaphore, #tpu.memory_space<semaphore_mem>>) src(%dma_wait3A_58 : memref<112xi32, #tpu.memory_space<hbm>>) dst(%arg5 : memref<112xi32, #tpu.memory_space<vmem>>)
      tpu.yield
    }) : () -> ()
    %dma_start3A = arith.constant 0 : i32
    %dma_start3A_3 = arith.constant 0 : i32
    %dma_start3A_4 = arith.constant 0 : i32
    %dma_start3A_5 = arith.constant 0 : i32
    %dma_start3A_6 = tpu.memref_slice %arg6[%dma_start3A, %dma_start3A_4, %dma_start3A_5] : memref<2x16x1024xf32, #tpu.memory_space<vmem>> -> memref<1x16x1024xf32, #tpu.memory_space<vmem>>
    %dma_start3A_7 = tpu.memref_squeeze %dma_start3A_6 : memref<1x16x1024xf32, #tpu.memory_space<vmem>> -> memref<16x1024xf32, #tpu.memory_space<vmem>>
    %dma_start3A_8 = arith.constant 0 : i32
    %dma_start3A_9 = tpu.memref_slice %arg5[%dma_start3A_8] : memref<112xi32, #tpu.memory_space<vmem>> -> memref<16xi32, #tpu.memory_space<vmem>>
    %dma_start3A_10 = arith.constant 0 : i32
    %dma_start3A_11 = arith.constant 0 : i32
    %dma_start3A_12 = tpu.memref_slice %arg3[%dma_start3A_10, %dma_start3A_11] : memref<8193x1024xf32, #tpu.memory_space<hbm>> -> memref<8193x1024xf32, #tpu.memory_space<hbm>>
    %dma_start3A_13 = tpu.memref_slice %arg7[%dma_start3A_3] : memref<2x!tpu.dma_semaphore, #tpu.memory_space<semaphore_mem>> -> memref<1x!tpu.dma_semaphore, #tpu.memory_space<semaphore_mem>>
    %dma_start3A_14 = tpu.memref_squeeze %dma_start3A_13 : memref<1x!tpu.dma_semaphore, #tpu.memory_space<semaphore_mem>> -> memref<!tpu.dma_semaphore, #tpu.memory_space<semaphore_mem>>
    tpu.enqueue_indirect_dma source(%dma_start3A_12 : memref<8193x1024xf32, #tpu.memory_space<hbm>>) target(%dma_start3A_7 : memref<16x1024xf32, #tpu.memory_space<vmem>>) offsets(%dma_start3A_9 : memref<16xi32, #tpu.memory_space<vmem>>) semaphore(%dma_start3A_14 : memref<!tpu.dma_semaphore, #tpu.memory_space<semaphore_mem>>)
    %scan3A = arith.constant 0 : i32
    %scan3A_15 = arith.constant 0 : i32
    %scan3A_16 = arith.constant 7 : i32
    %scan3A_17 = arith.addi %scan3A_15, %scan3A_16 : i32
    %scan3A_18 = arith.constant 1 : i32
    scf.for %scan3A_55 = %scan3A_15 to %scan3A_17 step %scan3A_18  : i32 {
      %rem3A = arith.constant 2 : i32
      %rem3A_56 = arith.remsi %scan3A_55, %rem3A : i32
      %add3A_57 = arith.constant 1 : i32
      %add3A_58 = arith.addi %scan3A_55, %add3A_57 : i32
      %lt3A = arith.constant 7 : i32
      %lt3A_59 = arith.cmpi slt, %add3A_58, %lt3A : i32
      %convert_element_type3A = arith.extui %lt3A_59 : i1 to i32
      %cond3A = arith.constant 0 : i32
      %cond3A_60 = arith.cmpi ne, %convert_element_type3A, %cond3A : i32
      scf.if %cond3A_60 {
        %ge3A = arith.constant 1 : i32
        %ge3A_94 = arith.cmpi sge, %scan3A_55, %ge3A : i32
        %convert_element_type3A_95 = arith.extui %ge3A_94 : i1 to i32
        %cond3A_96 = arith.constant 0 : i32
        %cond3A_97 = arith.cmpi ne, %convert_element_type3A_95, %cond3A_96 : i32
        scf.if %cond3A_97 {
          %rem3A_112 = arith.constant 2 : i32
          %rem3A_113 = arith.remsi %add3A_58, %rem3A_112 : i32
          %dma_wait3A_114 = arith.constant 0 : i32
          %dma_wait3A_115 = arith.constant 0 : i32
          %dma_wait3A_116 = tpu.memref_slice %arg6[%rem3A_113, %dma_wait3A_114, %dma_wait3A_115] : memref<2x16x1024xf32, #tpu.memory_space<vmem>> -> memref<1x16x1024xf32, #tpu.memory_space<vmem>>
          %dma_wait3A_117 = tpu.memref_squeeze %dma_wait3A_116 : memref<1x16x1024xf32, #tpu.memory_space<vmem>> -> memref<16x1024xf32, #tpu.memory_space<vmem>>
          %dma_wait3A_118 = arith.constant 0 : i32
          %dma_wait3A_119 = arith.constant 0 : i32
          %dma_wait3A_120 = tpu.memref_slice %arg4[%dma_wait3A_118, %dma_wait3A_119] : memref<3584x1024xf32, #tpu.memory_space<hbm>> -> memref<16x1024xf32, #tpu.memory_space<hbm>>
          %dma_wait3A_121 = tpu.memref_slice %arg8[%rem3A_113] : memref<2x!tpu.dma_semaphore, #tpu.memory_space<semaphore_mem>> -> memref<1x!tpu.dma_semaphore, #tpu.memory_space<semaphore_mem>>
          %dma_wait3A_122 = tpu.memref_squeeze %dma_wait3A_121 : memref<1x!tpu.dma_semaphore, #tpu.memory_space<semaphore_mem>> -> memref<!tpu.dma_semaphore, #tpu.memory_space<semaphore_mem>>
          %dma_wait3A_123 = arith.constant 0 : i32
          %dma_wait3A_124 = arith.constant 0 : i32
          %dma_wait3A_125 = tpu.memref_slice %arg4[%dma_wait3A_123, %dma_wait3A_124] : memref<3584x1024xf32, #tpu.memory_space<hbm>> -> memref<16x1024xf32, #tpu.memory_space<hbm>>
          %dma_wait3A_126 = arith.constant 0 : i32
          %dma_wait3A_127 = arith.constant 0 : i32
          %dma_wait3A_128 = tpu.memref_slice %arg6[%rem3A_113, %dma_wait3A_126, %dma_wait3A_127] : memref<2x16x1024xf32, #tpu.memory_space<vmem>> -> memref<1x16x1024xf32, #tpu.memory_space<vmem>>
          %dma_wait3A_129 = tpu.memref_squeeze %dma_wait3A_128 : memref<1x16x1024xf32, #tpu.memory_space<vmem>> -> memref<16x1024xf32, #tpu.memory_space<vmem>>
          tpu.wait_dma2 semaphore(%dma_wait3A_122 : memref<!tpu.dma_semaphore, #tpu.memory_space<semaphore_mem>>) src(%dma_wait3A_129 : memref<16x1024xf32, #tpu.memory_space<vmem>>) dst(%dma_wait3A_125 : memref<16x1024xf32, #tpu.memory_space<hbm>>)
        } else {
        }
        %rem3A_98 = arith.constant 2 : i32
        %rem3A_99 = arith.remsi %add3A_58, %rem3A_98 : i32
        %mul3A_100 = arith.constant 16 : i32
        %mul3A_101 = arith.muli %add3A_58, %mul3A_100 : i32
        %dma_start3A_102 = arith.constant 0 : i32
        %dma_start3A_103 = arith.constant 0 : i32
        %dma_start3A_104 = tpu.memref_slice %arg6[%rem3A_99, %dma_start3A_102, %dma_start3A_103] : memref<2x16x1024xf32, #tpu.memory_space<vmem>> -> memref<1x16x1024xf32, #tpu.memory_space<vmem>>
        %dma_start3A_105 = tpu.memref_squeeze %dma_start3A_104 : memref<1x16x1024xf32, #tpu.memory_space<vmem>> -> memref<16x1024xf32, #tpu.memory_space<vmem>>
        %dma_start3A_106 = tpu.memref_slice %arg5[%mul3A_101] : memref<112xi32, #tpu.memory_space<vmem>> -> memref<16xi32, #tpu.memory_space<vmem>>
        %dma_start3A_107 = arith.constant 0 : i32
        %dma_start3A_108 = arith.constant 0 : i32
        %dma_start3A_109 = tpu.memref_slice %arg3[%dma_start3A_107, %dma_start3A_108] : memref<8193x1024xf32, #tpu.memory_space<hbm>> -> memref<8193x1024xf32, #tpu.memory_space<hbm>>
        %dma_start3A_110 = tpu.memref_slice %arg7[%rem3A_99] : memref<2x!tpu.dma_semaphore, #tpu.memory_space<semaphore_mem>> -> memref<1x!tpu.dma_semaphore, #tpu.memory_space<semaphore_mem>>
        %dma_start3A_111 = tpu.memref_squeeze %dma_start3A_110 : memref<1x!tpu.dma_semaphore, #tpu.memory_space<semaphore_mem>> -> memref<!tpu.dma_semaphore, #tpu.memory_space<semaphore_mem>>
        tpu.enqueue_indirect_dma source(%dma_start3A_109 : memref<8193x1024xf32, #tpu.memory_space<hbm>>) target(%dma_start3A_105 : memref<16x1024xf32, #tpu.memory_space<vmem>>) offsets(%dma_start3A_106 : memref<16xi32, #tpu.memory_space<vmem>>) semaphore(%dma_start3A_111 : memref<!tpu.dma_semaphore, #tpu.memory_space<semaphore_mem>>)
      } else {
      }
      %dma_wait3A_61 = arith.constant 0 : i32
      %dma_wait3A_62 = arith.constant 0 : i32
      %dma_wait3A_63 = tpu.memref_slice %arg6[%rem3A_56, %dma_wait3A_61, %dma_wait3A_62] : memref<2x16x1024xf32, #tpu.memory_space<vmem>> -> memref<1x16x1024xf32, #tpu.memory_space<vmem>>
      %dma_wait3A_64 = tpu.memref_squeeze %dma_wait3A_63 : memref<1x16x1024xf32, #tpu.memory_space<vmem>> -> memref<16x1024xf32, #tpu.memory_space<vmem>>
      %dma_wait3A_65 = arith.constant 0 : i32
      %dma_wait3A_66 = arith.constant 0 : i32
      %dma_wait3A_67 = tpu.memref_slice %arg3[%dma_wait3A_65, %dma_wait3A_66] : memref<8193x1024xf32, #tpu.memory_space<hbm>> -> memref<16x1024xf32, #tpu.memory_space<hbm>>
      %dma_wait3A_68 = tpu.memref_slice %arg7[%rem3A_56] : memref<2x!tpu.dma_semaphore, #tpu.memory_space<semaphore_mem>> -> memref<1x!tpu.dma_semaphore, #tpu.memory_space<semaphore_mem>>
      %dma_wait3A_69 = tpu.memref_squeeze %dma_wait3A_68 : memref<1x!tpu.dma_semaphore, #tpu.memory_space<semaphore_mem>> -> memref<!tpu.dma_semaphore, #tpu.memory_space<semaphore_mem>>
      %dma_wait3A_70 = arith.constant 0 : i32
      %dma_wait3A_71 = arith.constant 0 : i32
      %dma_wait3A_72 = tpu.memref_slice %arg6[%rem3A_56, %dma_wait3A_70, %dma_wait3A_71] : memref<2x16x1024xf32, #tpu.memory_space<vmem>> -> memref<1x16x1024xf32, #tpu.memory_space<vmem>>
      %dma_wait3A_73 = tpu.memref_squeeze %dma_wait3A_72 : memref<1x16x1024xf32, #tpu.memory_space<vmem>> -> memref<16x1024xf32, #tpu.memory_space<vmem>>
      %dma_wait3A_74 = arith.constant 0 : i32
      %dma_wait3A_75 = arith.constant 0 : i32
      %dma_wait3A_76 = tpu.memref_slice %arg3[%dma_wait3A_74, %dma_wait3A_75] : memref<8193x1024xf32, #tpu.memory_space<hbm>> -> memref<16x1024xf32, #tpu.memory_space<hbm>>
      tpu.wait_dma2 semaphore(%dma_wait3A_69 : memref<!tpu.dma_semaphore, #tpu.memory_space<semaphore_mem>>) src(%dma_wait3A_76 : memref<16x1024xf32, #tpu.memory_space<hbm>>) dst(%dma_wait3A_73 : memref<16x1024xf32, #tpu.memory_space<vmem>>)
      %mul3A_77 = arith.constant 16 : i32
      %mul3A_78 = arith.muli %scan3A_55, %mul3A_77 : i32
      %add3A_79 = arith.addi %mul3A_2, %mul3A_78 : i32
      %dma_start3A_80 = arith.constant 0 : i32
      %dma_start3A_81 = arith.constant 0 : i32
      %dma_start3A_82 = tpu.memref_slice %arg6[%rem3A_56, %dma_start3A_80, %dma_start3A_81] : memref<2x16x1024xf32, #tpu.memory_space<vmem>> -> memref<1x16x1024xf32, #tpu.memory_space<vmem>>
      %dma_start3A_83 = tpu.memref_squeeze %dma_start3A_82 : memref<1x16x1024xf32, #tpu.memory_space<vmem>> -> memref<16x1024xf32, #tpu.memory_space<vmem>>
      %dma_start3A_84 = arith.constant 0 : i32
      %dma_start3A_85 = tpu.memref_slice %arg4[%add3A_79, %dma_start3A_84] : memref<3584x1024xf32, #tpu.memory_space<hbm>> -> memref<16x1024xf32, #tpu.memory_space<hbm>>
      %dma_start3A_86 = tpu.memref_slice %arg8[%rem3A_56] : memref<2x!tpu.dma_semaphore, #tpu.memory_space<semaphore_mem>> -> memref<1x!tpu.dma_semaphore, #tpu.memory_space<semaphore_mem>>
      %dma_start3A_87 = tpu.memref_squeeze %dma_start3A_86 : memref<1x!tpu.dma_semaphore, #tpu.memory_space<semaphore_mem>> -> memref<!tpu.dma_semaphore, #tpu.memory_space<semaphore_mem>>
      %dma_start3A_88 = arith.constant 0 : i32
      %dma_start3A_89 = tpu.memref_slice %arg4[%add3A_79, %dma_start3A_88] : memref<3584x1024xf32, #tpu.memory_space<hbm>> -> memref<16x1024xf32, #tpu.memory_space<hbm>>
      %dma_start3A_90 = arith.constant 0 : i32
      %dma_start3A_91 = arith.constant 0 : i32
      %dma_start3A_92 = tpu.memref_slice %arg6[%rem3A_56, %dma_start3A_90, %dma_start3A_91] : memref<2x16x1024xf32, #tpu.memory_space<vmem>> -> memref<1x16x1024xf32, #tpu.memory_space<vmem>>
      %dma_start3A_93 = tpu.memref_squeeze %dma_start3A_92 : memref<1x16x1024xf32, #tpu.memory_space<vmem>> -> memref<16x1024xf32, #tpu.memory_space<vmem>>
      tpu.enqueue_dma source(%dma_start3A_93 : memref<16x1024xf32, #tpu.memory_space<vmem>>) target(%dma_start3A_89 : memref<16x1024xf32, #tpu.memory_space<hbm>>) target_semaphore(%dma_start3A_87 : memref<!tpu.dma_semaphore, #tpu.memory_space<semaphore_mem>>)
    }
    %scan3A_19 = arith.constant 7 : i32
    %dma_wait3A = arith.constant 1 : i32
    %dma_wait3A_20 = arith.constant 1 : i32
    %dma_wait3A_21 = arith.constant 0 : i32
    %dma_wait3A_22 = arith.constant 0 : i32
    %dma_wait3A_23 = tpu.memref_slice %arg6[%dma_wait3A, %dma_wait3A_21, %dma_wait3A_22] : memref<2x16x1024xf32, #tpu.memory_space<vmem>> -> memref<1x16x1024xf32, #tpu.memory_space<vmem>>
    %dma_wait3A_24 = tpu.memref_squeeze %dma_wait3A_23 : memref<1x16x1024xf32, #tpu.memory_space<vmem>> -> memref<16x1024xf32, #tpu.memory_space<vmem>>
    %dma_wait3A_25 = arith.constant 0 : i32
    %dma_wait3A_26 = arith.constant 0 : i32
    %dma_wait3A_27 = tpu.memref_slice %arg4[%dma_wait3A_25, %dma_wait3A_26] : memref<3584x1024xf32, #tpu.memory_space<hbm>> -> memref<16x1024xf32, #tpu.memory_space<hbm>>
    %dma_wait3A_28 = tpu.memref_slice %arg8[%dma_wait3A_20] : memref<2x!tpu.dma_semaphore, #tpu.memory_space<semaphore_mem>> -> memref<1x!tpu.dma_semaphore, #tpu.memory_space<semaphore_mem>>
    %dma_wait3A_29 = tpu.memref_squeeze %dma_wait3A_28 : memref<1x!tpu.dma_semaphore, #tpu.memory_space<semaphore_mem>> -> memref<!tpu.dma_semaphore, #tpu.memory_space<semaphore_mem>>
    %dma_wait3A_30 = arith.constant 0 : i32
    %dma_wait3A_31 = arith.constant 0 : i32
    %dma_wait3A_32 = tpu.memref_slice %arg4[%dma_wait3A_30, %dma_wait3A_31] : memref<3584x1024xf32, #tpu.memory_space<hbm>> -> memref<16x1024xf32, #tpu.memory_space<hbm>>
    %dma_wait3A_33 = arith.constant 0 : i32
    %dma_wait3A_34 = arith.constant 0 : i32
    %dma_wait3A_35 = tpu.memref_slice %arg6[%dma_wait3A, %dma_wait3A_33, %dma_wait3A_34] : memref<2x16x1024xf32, #tpu.memory_space<vmem>> -> memref<1x16x1024xf32, #tpu.memory_space<vmem>>
    %dma_wait3A_36 = tpu.memref_squeeze %dma_wait3A_35 : memref<1x16x1024xf32, #tpu.memory_space<vmem>> -> memref<16x1024xf32, #tpu.memory_space<vmem>>
    tpu.wait_dma2 semaphore(%dma_wait3A_29 : memref<!tpu.dma_semaphore, #tpu.memory_space<semaphore_mem>>) src(%dma_wait3A_36 : memref<16x1024xf32, #tpu.memory_space<vmem>>) dst(%dma_wait3A_32 : memref<16x1024xf32, #tpu.memory_space<hbm>>)
    %dma_wait3A_37 = arith.constant 0 : i32
    %dma_wait3A_38 = arith.constant 0 : i32
    %dma_wait3A_39 = arith.constant 0 : i32
    %dma_wait3A_40 = arith.constant 0 : i32
    %dma_wait3A_41 = tpu.memref_slice %arg6[%dma_wait3A_37, %dma_wait3A_39, %dma_wait3A_40] : memref<2x16x1024xf32, #tpu.memory_space<vmem>> -> memref<1x16x1024xf32, #tpu.memory_space<vmem>>
    %dma_wait3A_42 = tpu.memref_squeeze %dma_wait3A_41 : memref<1x16x1024xf32, #tpu.memory_space<vmem>> -> memref<16x1024xf32, #tpu.memory_space<vmem>>
    %dma_wait3A_43 = arith.constant 0 : i32
    %dma_wait3A_44 = arith.constant 0 : i32
    %dma_wait3A_45 = tpu.memref_slice %arg4[%dma_wait3A_43, %dma_wait3A_44] : memref<3584x1024xf32, #tpu.memory_space<hbm>> -> memref<16x1024xf32, #tpu.memory_space<hbm>>
    %dma_wait3A_46 = tpu.memref_slice %arg8[%dma_wait3A_38] : memref<2x!tpu.dma_semaphore, #tpu.memory_space<semaphore_mem>> -> memref<1x!tpu.dma_semaphore, #tpu.memory_space<semaphore_mem>>
    %dma_wait3A_47 = tpu.memref_squeeze %dma_wait3A_46 : memref<1x!tpu.dma_semaphore, #tpu.memory_space<semaphore_mem>> -> memref<!tpu.dma_semaphore, #tpu.memory_space<semaphore_mem>>
    %dma_wait3A_48 = arith.constant 0 : i32
    %dma_wait3A_49 = arith.constant 0 : i32
    %dma_wait3A_50 = tpu.memref_slice %arg4[%dma_wait3A_48, %dma_wait3A_49] : memref<3584x1024xf32, #tpu.memory_space<hbm>> -> memref<16x1024xf32, #tpu.memory_space<hbm>>
    %dma_wait3A_51 = arith.constant 0 : i32
    %dma_wait3A_52 = arith.constant 0 : i32
    %dma_wait3A_53 = tpu.memref_slice %arg6[%dma_wait3A_37, %dma_wait3A_51, %dma_wait3A_52] : memref<2x16x1024xf32, #tpu.memory_space<vmem>> -> memref<1x16x1024xf32, #tpu.memory_space<vmem>>
    %dma_wait3A_54 = tpu.memref_squeeze %dma_wait3A_53 : memref<1x16x1024xf32, #tpu.memory_space<vmem>> -> memref<16x1024xf32, #tpu.memory_space<vmem>>
    tpu.wait_dma2 semaphore(%dma_wait3A_47 : memref<!tpu.dma_semaphore, #tpu.memory_space<semaphore_mem>>) src(%dma_wait3A_54 : memref<16x1024xf32, #tpu.memory_space<vmem>>) dst(%dma_wait3A_50 : memref<16x1024xf32, #tpu.memory_space<hbm>>)
    return
  }
}

module attributes {stable_mosaic.version = 14 : i64} {
  func.func @body(%arg0: i32, %arg1: memref<256x4x1024xf32, #tpu.memory_space<vmem>>, %arg2: memref<256x1024xf32, #tpu.memory_space<vmem>>, %arg3: memref<256x4x1024xf32, #tpu.memory_space<vmem>>) attributes {dimension_semantics = [#tpu.dimension_semantics<arbitrary>], iteration_bounds = array<i64: 2>, scalar_prefetch = 0 : i64, scratch_operands = 0 : i64, tpu.core_type = #tpu.core_type<tc>, window_params = [{transform_indices = @transform_0, window_bounds = array<i64: 256, 4, 1024>}, {transform_indices = @transform_1, window_bounds = array<i64: 256, 1024>}, {transform_indices = @transform_2, window_bounds = array<i64: 256, 4, 1024>}]} {
    %get3A = arith.constant 0 : index
    %get3A_0 = arith.constant 0 : index
    %get3A_1 = arith.constant 0 : index
    %get3A_2 = vector.load %arg1[%get3A, %get3A_0, %get3A_1] : memref<256x4x1024xf32, #tpu.memory_space<vmem>>, vector<256x4x1024xf32>
    %get3A_3 = arith.constant 0 : index
    %get3A_4 = arith.constant 0 : index
    %get3A_5 = vector.load %arg2[%get3A_3, %get3A_4] : memref<256x1024xf32, #tpu.memory_space<vmem>>, vector<256x1024xf32>
    %broadcast_in_dim3A = vector.shape_cast %get3A_5 : vector<256x1024xf32> to vector<256x1x1024xf32>
    %add3A = vector.broadcast %broadcast_in_dim3A : vector<256x1x1024xf32> to vector<256x4x1024xf32>
    %add3A_6 = arith.addf %get3A_2, %add3A : vector<256x4x1024xf32>
    %swap3A = arith.constant 0 : index
    %swap3A_7 = arith.constant 0 : index
    %swap3A_8 = arith.constant 0 : index
    %swap3A_9 = vector.load %arg3[%swap3A, %swap3A_7, %swap3A_8] : memref<256x4x1024xf32, #tpu.memory_space<vmem>>, vector<256x4x1024xf32>
    tpu.vector_store %arg3[%swap3A, %swap3A_7, %swap3A_8], %add3A_6 {strides = array<i32>} : memref<256x4x1024xf32, #tpu.memory_space<vmem>>, vector<256x4x1024xf32>,
    return
  }
  func.func @transform_0(%arg0: i32) -> (i32, i32, i32) {
    %add3A = arith.constant 0 : i32
    %add3A_0 = arith.addi %arg0, %add3A : i32
    %c0_i32 = arith.constant 0 : i32
    %c0_i32_1 = arith.constant 0 : i32
    %c0_i32_2 = arith.constant 0 : i32
    return %add3A_0, %c0_i32, %c0_i32_1 : i32, i32, i32
  }
  func.func @transform_1(%arg0: i32) -> (i32, i32) {
    %c0_i32 = arith.constant 0 : i32
    %c0_i32_0 = arith.constant 0 : i32
    return %arg0, %c0_i32 : i32, i32
  }
  func.func @transform_2(%arg0: i32) -> (i32, i32, i32) {
    %add3A = arith.constant 0 : i32
    %add3A_0 = arith.addi %arg0, %add3A : i32
    %c0_i32 = arith.constant 0 : i32
    %c0_i32_1 = arith.constant 0 : i32
    %c0_i32_2 = arith.constant 0 : i32
    return %add3A_0, %c0_i32, %c0_i32_1 : i32, i32, i32
  }
}

module attributes {stable_mosaic.version = 14 : i64} {
  func.func @body(%arg0: i32, %arg1: memref<4096x4x1024xf32, #tpu.memory_space<any>>, %arg2: memref<256x4x1024xf32, #tpu.memory_space<vmem>>, %arg3: memref<256x1024xf32, #tpu.memory_space<vmem>>, %arg4: memref<256x4x1024xf32, #tpu.memory_space<vmem>>) attributes {dimension_semantics = [#tpu.dimension_semantics<arbitrary>], iteration_bounds = array<i64: 14>, scalar_prefetch = 0 : i64, scratch_operands = 0 : i64, tpu.core_type = #tpu.core_type<tc>, window_params = [{}, {transform_indices = @transform_1, window_bounds = array<i64: 256, 4, 1024>}, {transform_indices = @transform_2, window_bounds = array<i64: 256, 1024>}, {transform_indices = @transform_3, window_bounds = array<i64: 256, 4, 1024>}]} {
    %get3A = arith.constant 0 : index
    %get3A_0 = arith.constant 0 : index
    %get3A_1 = arith.constant 0 : index
    %get3A_2 = vector.load %arg2[%get3A, %get3A_0, %get3A_1] : memref<256x4x1024xf32, #tpu.memory_space<vmem>>, vector<256x4x1024xf32>
    %get3A_3 = arith.constant 0 : index
    %get3A_4 = arith.constant 0 : index
    %get3A_5 = vector.load %arg3[%get3A_3, %get3A_4] : memref<256x1024xf32, #tpu.memory_space<vmem>>, vector<256x1024xf32>
    %broadcast_in_dim3A = vector.shape_cast %get3A_5 : vector<256x1024xf32> to vector<256x1x1024xf32>
    %add3A = vector.broadcast %broadcast_in_dim3A : vector<256x1x1024xf32> to vector<256x4x1024xf32>
    %add3A_6 = arith.addf %get3A_2, %add3A : vector<256x4x1024xf32>
    %swap3A = arith.constant 0 : index
    %swap3A_7 = arith.constant 0 : index
    %swap3A_8 = arith.constant 0 : index
    %swap3A_9 = vector.load %arg4[%swap3A, %swap3A_7, %swap3A_8] : memref<256x4x1024xf32, #tpu.memory_space<vmem>>, vector<256x4x1024xf32>
    tpu.vector_store %arg4[%swap3A, %swap3A_7, %swap3A_8], %add3A_6 {strides = array<i32>} : memref<256x4x1024xf32, #tpu.memory_space<vmem>>, vector<256x4x1024xf32>,
    return
  }
  func.func @transform_1(%arg0: i32) -> (i32, i32, i32) {
    %add3A = arith.constant 2 : i32
    %add3A_0 = arith.addi %arg0, %add3A : i32
    %c0_i32 = arith.constant 0 : i32
    %c0_i32_1 = arith.constant 0 : i32
    %c0_i32_2 = arith.constant 0 : i32
    return %add3A_0, %c0_i32, %c0_i32_1 : i32, i32, i32
  }
  func.func @transform_2(%arg0: i32) -> (i32, i32) {
    %c0_i32 = arith.constant 0 : i32
    %c0_i32_0 = arith.constant 0 : i32
    return %arg0, %c0_i32 : i32, i32
  }
  func.func @transform_3(%arg0: i32) -> (i32, i32, i32) {
    %add3A = arith.constant 2 : i32
    %add3A_0 = arith.addi %arg0, %add3A : i32
    %c0_i32 = arith.constant 0 : i32
    %c0_i32_1 = arith.constant 0 : i32
    %c0_i32_2 = arith.constant 0 : i32
    return %add3A_0, %c0_i32, %c0_i32_1 : i32, i32, i32
  }
}

</mosaic_0001>

<sc_bundles>
// kernel: kernel.6.cloned.1.call-start
scs
__scs_entry_jumppad:
0x0: {  	(pc) =	sbr.rel $0x88, $3  }
0x1: {  	(tag) =	ssettag $0x0;
	lr =	simm.s32 $0x1  }
0x2: {  	[smem:$0x3F9E] =	sst lr;
	_ =	strace $0xD0000000  }
0x3: {  	_ = 	snop  }
0x4: {  	_ = 	snop  }
0x5: {  	_ = 	snop  }
0x6: {  	_ = 	snop  }
0x7: {  	_ = 	snop  }
__scs_overlays_trampoline_lowered:
0x8: {  	[smem:$0x3FAD] =	sst s0  }
0x9: {  	[smem:$0x3FAE] =	sst s1  }
0xa: {  	[smem:$0x3FAF] =	sst s2  }
0xb: {  	[smem:$0x3FB0] =	sst s3  }
0xc: {  	[smem:$0x3FB1] =	sst s4  }
0xd: {  	[smem:$0x3FB2] =	sst s5  }
0xe: {  	[smem:$0x3FB3] =	sst s6  }
0xf: {  	[smem:$0x3FB4] =	sst s7  }
0x10: {  	[smem:$0x3FB5] =	sst s8  }
0x11: {  	[smem:$0x3FB6] =	sst s9;
	s0 =	simm.s32 @!p0 $0x0  }
0x12: {  	s1 =	sld [smem:$0x3F9C];
	s0 =	simm.s32 @p0 $0x1  }
0x13: {  	[smem:$0x3FB7] =	sst s0;
	s0 =	simm.s32 @!p1 $0x0  }
0x14: {  	s2 =	sld [smem:$0x3F9B];
	s0 =	simm.s32 @p1 $0x1  }
0x15: {  	[smem:$0x3FB8] =	sst s0;
	s0 =	simm.s32 @!p2 $0x0  }
0x16: {  	s3 =	sld [smem:$0x3FDB];
	s0 =	simm.s32 @p2 $0x1  }
0x17: {  	s4 =	simm.s32 $0x1BF5;
	[smem:$0x3FBA] =	sst s0  }
0x18: {  	s0 =	sld [smem:$0x3F9D];
	_ =	swait.ge [sflag:s4], $0x0  }
0x19: {  	s7 =	sld [smem:$0x3F9E]  }
0x1a: {  	s8 =	sadd.s32 $0xFFFFE003, lr  }
0x1b: {  	s9 =	sadd.s32 $0xFFFFFEF7, lr;
	s5 =	simm.s32 $0xFFFFFFFF;
	p2 =	slt.u32 s8, $0xFFFFF086  }
0x1c: {  	p1 =	slt.u32 s9, $0xF7A;
	s5 =	simm.s32 @!p2 $0x0  }
0x1d: {  	s5 =	simm.s32 @p1 $0x1;
	p0 =	seq.s32 s7, s2  }
0x1e: {  	s7 =	smul.u32 @!p0 $0xF7A, s2;
	p2 =	seq.s32 @!p0 s5, $0x0  }
0x1f: {  	s9 =	smul.u32 $0xF7A, s1;
	s8 =	simm.s32 @!p0 $0x1BF5;
	p2 =	por !p2, p0  }
0x20: {  	[sflag:s8] =	ssyncset.s32 @!p0 $0xFFFFF086;
	s6 =	sadd.s32 @!p0 s3, s7;
	s7 =	simm.s32 @!p0 $0x108  }
0x21: {  	s3 =	sadd.s32 s3, s9;
	s6 =	sadd.s32 @!p0 $0x88, s6;
	s7 =	simm.s32 @p2 $0x1082  }
0x22: {  	[simem:s7], [sflag:s8] =	dma.local @!p0 [hbm:s6], $0xF7A  }
0x23: {  	s9 =	sor.u32 $0xD0000000, s2;
	s6 =	simm.s32 $0x108;
	_ =	swait.ge @!p0 [sflag:s8], $0x0  }
0x24: {  	s3 =	sadd.s32 $0x88, s3;
	s6 =	simm.s32 @!p1 $0x1082;
	[sflag:s4] =	ssyncset.s32 $0xFFFFF086  }
0x25: {  	[simem:s6], [sflag:s4] =	dma.local [hbm:s3], $0xF7A  }
0x26: {  	[smem:$0x3F9E] =	sst s1;
	(tag) =	ssettag s2;
	_ =	strace s9  }
0x27: {  	s1 =	sld [smem:$0x3FAE]  }
0x28: {  	s2 =	sld [smem:$0x3FAF]  }
0x29: {  	s4 =	sld [smem:$0x3FB1]  }
0x2a: {  	p0 =	seq.s32 s5, $0x0;
	s5 =	sld [smem:$0x3FB2]  }
0x2b: {  	s6 =	sld [smem:$0x3FB3]  }
0x2c: {  	s7 =	sld [smem:$0x3FB4]  }
0x2d: {  	s3 =	simm.s32 $0x108;
	s8 =	sld [smem:$0x3FB5]  }
0x2e: {  	s3 =	simm.s32 @!p0 $0x1082;
	s9 =	sld [smem:$0x3FB6]  }
0x2f: {  	lr =	sadd.s32 s0, s3;
	s0 =	sld [smem:$0x3FAD]  }
0x30: {  	s3 =	sld [smem:$0x3FB0]  }
0x31: {  	[smem:$0x3FB9] =	sst s10  }
0x32: {  	s10 =	sld [smem:$0x3FB7];
	_ =	sdelay $0x3  }
0x33: {  	p0 =	seq.s32 s10, $0x1;
	s10 =	sld [smem:$0x3FB9];
	_ =	sdelay $0x3  }
0x34: {  	[smem:$0x3FB9] =	sst s10  }
0x35: {  	s10 =	sld [smem:$0x3FB8];
	_ =	sdelay $0x3  }
0x36: {  	p1 =	seq.s32 s10, $0x1;
	s10 =	sld [smem:$0x3FB9];
	_ =	sdelay $0x3  }
0x37: {  	[smem:$0x3FB9] =	sst s10  }
0x38: {  	s10 =	sld [smem:$0x3FBA]  }
0x39: {  	_ = 	snop;
	(pc) =	sbr.ind lr, $3  }
0x3a: {  	_ = 	snop  }
0x3b: {  	_ = 	snop  }
0x3c: {  	p2 =	seq.s32 s10, $0x1;
	s10 =	sld [smem:$0x3FB9]  }
0x3d: {  	_ =	shalt  }
0x3e: {  	_ =	shalt  }
0x3f: {  	_ =	shalt  }
0x40: {  	_ =	shalt  }
0x41: {  	_ =	shalt  }
0x42: {  	_ =	shalt  }
0x43: {  	_ =	shalt  }
0x44: {  	_ =	shalt  }
0x45: {  	_ =	shalt  }
0x46: {  	_ =	shalt  }
0x47: {  	_ =	shalt  }
0x48: {  	_ =	shalt  }
0x49: {  	_ =	shalt  }
0x4a: {  	_ =	shalt  }
0x4b: {  	_ =	shalt  }
0x4c: {  	_ =	shalt  }
0x4d: {  	_ =	shalt  }
0x4e: {  	_ =	shalt  }
0x4f: {  	_ =	shalt  }
0x50: {  	_ =	shalt  }
0x51: {  	_ =	shalt  }
0x52: {  	_ =	shalt  }
0x53: {  	_ =	shalt  }
0x54: {  	_ =	shalt  }
0x55: {  	_ =	shalt  }
0x56: {  	_ =	shalt  }
0x57: {  	_ =	shalt  }
0x58: {  	_ =	shalt  }
0x59: {  	_ =	shalt  }
0x5a: {  	_ =	shalt  }
0x5b: {  	_ =	shalt  }
0x5c: {  	_ =	shalt  }
0x5d: {  	_ =	shalt  }
0x5e: {  	_ =	shalt  }
0x5f: {  	_ =	shalt  }
0x60: {  	_ =	shalt  }
0x61: {  	_ =	shalt  }
0x62: {  	_ =	shalt  }
0x63: {  	_ =	shalt  }
0x64: {  	_ =	shalt  }
0x65: {  	_ =	shalt  }
0x66: {  	_ =	shalt  }
0x67: {  	_ =	shalt  }
0x68: {  	_ =	shalt  }
0x69: {  	_ =	shalt  }
0x6a: {  	_ =	shalt  }
0x6b: {  	_ =	shalt  }
0x6c: {  	_ =	shalt  }
0x6d: {  	_ =	shalt  }
0x6e: {  	_ =	shalt  }
0x6f: {  	_ =	shalt  }
0x70: {  	_ =	shalt  }
0x71: {  	_ =	shalt  }
0x72: {  	_ =	shalt  }
0x73: {  	_ =	shalt  }
0x74: {  	_ =	shalt  }
0x75: {  	_ =	shalt  }
0x76: {  	_ =	shalt  }
0x77: {  	_ =	shalt  }
0x78: {  	_ =	shalt  }
0x79: {  	_ =	shalt  }
0x7a: {  	_ =	shalt  }
0x7b: {  	_ =	shalt  }
0x7c: {  	_ =	shalt  }
0x7d: {  	_ =	shalt  }
0x7e: {  	_ =	shalt  }
0x7f: {  	_ =	shalt  }
0x80: {  	_ =	shalt  }
0x81: {  	_ =	shalt  }
0x82: {  	_ =	shalt  }
0x83: {  	_ =	shalt  }
0x84: {  	_ =	shalt  }
0x85: {  	_ =	shalt  }
0x86: {  	_ =	shalt  }
0x87: {  	_ =	shalt  }
.Lfunc_end0:
.L_simem_size_0:
called_computation_lowered:
.L_overlay_start_0:
0x88: {  	s2 =	sld [smem:$0x3FD9]  }
0x89: {  	s3 =	sld [smem:$0x3FFE];
	_ =	sdelay $0x1  }
0x8a: {  	s1 =	srdreg.scid  }
0x8b: {  	s0 =	sand.u32 $0x1, s1  }
0x8c: {  	s17 =	sshll.u32 s0, $0xA;
	s2 =	sadd.s32 s3, s2  }
0x8d: {  	s2 =	sadd.s32 s2, s17  }
0x8e: {  	[smem:$0x3FC5] =	sst s2  }
0x8f: {  	_ = 	snop  }
0x90: {  	s2 =	sld [smem:$0x3FC7]  }
0x91: {  	s18 =	sld [smem:$0x3FD0];
	(tm) =	ssettm $0x1  }
0x92: {  	s4 =	sld [smem:$0x3FFB];
	_ =	sdelay $0x3  }
0x93: {  	_ =	strace s4  }
0x94: {  	s4 =	sld [smem:$0x3FFC];
	_ =	sdelay $0x3  }
0x95: {  	_ =	strace s4  }
0x96: {  	s4 =	sld [smem:$0x3FFD];
	_ =	sdelay $0x3  }
0x97: {  	_ =	strace s4  }
0x98: {  	_ =	strace $0x8FFFFFFF  }
0x99: {  	s19 =	sld [smem:$0x3FDB];
	_ =	sdelay $0x1  }
0x9a: {  	s5 =	simm.s32 $_scs_section_size  }
0x9b: {  	s6 =	simm.s32 $_size__tile_overlayer_lowered;
	s7 =	simm.s32 $_tile_overlayer_lowered  }
0x9c: {  	s22 =	simm.s32 $0x1BFF;
	s21 =	sshll.u32 s7, $0x1;
	s4 =	sadd.s32 s5, s19  }
0x9d: {  	s8 =	simm.s32 $0x0;
	s20 =	sshll.u32 s6, $0x1;
	s6 =	sadd.s32 s21, s4  }
0x9e: {  	[timem:s8], [sflag:s22] =	dma.local [hbm:s6], s20  }
0x9f: {  	_ =	swait.ge [sflag:s22], s20  }
0xa0: {  	s5 =	ssub.s32 $0x0, s20;
	[sflag:s22] =	ssyncset.done $0x0  }
0xa1: {  	[sflag:s22] =	ssyncadd.s32 s5;
	_ =	sdelay $0x1  }
0xa2: {  	s23 =	simm.s32 $0x1B8B  }
0xa3: {  	_ =	swait.ge [sflag:s23], $0x1  }
0xa4: {  	[sflag:s23] =	ssyncset.done $0x0  }
0xa5: {  	s25 =	simm.s32 $0x1B8E;
	s24 =	sld [smem:$0x3FFE];
	[sflag:s23] =	ssyncadd.s32 $0xFFFFFFFF  }
0xa6: {  	s26 =	simm.s32 $execute0_lowered;
	[smem:$0x3FD2] =	sst s25  }
0xa7: {  	s6 =	sshll.u32 s26, $0x1;
	_ =	strace $0x80000046;
	[dreg:$0x1] =	wrdreg $0xFFFFFFFF  }
0xa8: {  	s28 =	simm.s32 $_size_execute0_lowered;
	s4 =	sadd.s32 s4, s6;
	[dreg:$0x0] =	wrdreg $0x0  }
0xa9: {  	s6 =	sshll.u32 s28, $0x1;
	[dreg:$0x2] =	wrdreg s4  }
0xaa: {  	[dreg:$0x3] =	wrdreg s6  }
0xab: {  	[dreg:$0x4] =	wrdreg $0xC0  }
0xac: {  	_ =	task [dreg:s8], $0x5FFFF  }
0xad: {  	[dreg:$0x1] =	wrdreg $0xFFFFFFFF  }
0xae: {  	[dreg:$0x0] =	wrdreg $0x60  }
0xaf: {  	[dreg:$0x2] =	wrdreg s24  }
0xb0: {  	[dreg:$0x3] =	wrdreg s2  }
0xb1: {  	[dreg:$0x4] =	wrdreg s18  }
0xb2: {  	[dreg:$0x5] =	wrdreg $0x9  }
0xb3: {  	_ =	task.clear_ibuf [dreg:s8], $0x6FFFF;
	_ =	strace $0x90000046  }
0xb4: {  	s29 =	simm.s32 $0x9;
	_ =	strace $0x80000048  }
0xb5: {  	_ =	swait.ge [sflag:s29], $0x1  }
0xb6: {  	[sflag:s29] =	ssyncadd.s32 $0xFFFFFFFF  }
0xb7: {  	_ =	strace $0x90000048  }
0xb8: {  	_ =	sfence  }
0xb9: {  	s30 =	sld [smem:$0x0];
	_ =	sdelay $0x2  }
0xba: {  	s31 =	sshll.u32 s1, $0xD;
	s1 =	sshrl.u32 s1, $0x2  }
0xbb: {  	s3 =	sand.u32 $0x4000, s31;
	s1 =	sadd.s32 s1, s30  }
0xbc: {  	s0 =	sor.u32 s3, s0;
	s1 =	sshll.u32 s1, $0x11  }
0xbd: {  	s0 =	sor.u32 s1, s0  }
0xbe: {  	s0 =	sadd.s32 $0x8F2B, s0  }
0xbf: {  	[sflag:s0] =	ssyncadd.remote.s32 $0x1  }
0xc0: {  	_ =	sfence.sel $0xFFFF  }
0xc1: {  	[dreg:$0x0] =	wrdreg $0xFFFFFFFF;
	(pc) =	sbr.abs _section_cstart, $3  }
0xc2: {  	[dreg:$0x1] =	wrdreg $0xFFFFFFFF  }
0xc3: {  	_ =	task.clear_ibuf [dreg:s8], $0x2FFFF;
	_ =	strace $0x9FFFFFFF  }
0xc4: {  	(tm) =	ssettm $0x7FFFFFFF  }
0xc5: {  	_ =	shalt  }
tec
execute0_lowered:
.L_overlay_start_1:
0x0: {  	(tag) =	ssettag $0x1  }
0x1: {  	s1 =	srdreg.scid  }
0x2: {  	s4 =	rddreg [dreg:$0x0];
	s0 =	stileid.u32;
	s16 =	sand.u32 $0x1, s1  }
0x3: {  	s2 =	rddreg [dreg:$0x1];
	s31 =	sshll.u32 s0, $0x5;
	s3 =	sshll.u32 s16, $0x4  }
0x4: {  	s18 =	rddreg [dreg:$0x2];
	s19 =	sor.u32 s3, s31  }
0x5: {  	s1 =	rddreg [dreg:$0x3];
	s3 =	simm.s32 $0x0;
	s5 =	sshrl.u32 s19, $0x3  }
0x6: {  	[smem:$0x7FF] =	sst s3;
	s4 =	sadd.s32 s5, s4  }
0x7: {  	_ =	strace $0x80000047;
	s5 =	simm.s32 $0x5;
	s4 =	sadd.s32 $0xE00, s4  }
0x8: {  	[tilespmem:s3], [sflag:$0x5] =	stream.linear.gather [hbm4b:s4+s3], $0x10, $0x38;
	[tilespmem:$0x8080] =	vst v63  }
0x9: {  	_ =	swait.ge [sflag:s5], $0x10  }
0xa: {  	[sflag:s5] =	ssyncset.done $0x0  }
0xb: {  	[sflag:s5] =	ssyncadd.s32 $0xFFFFFFF0  }
0xc: {  	v0 =	vld [tilespmem:$0x0];
	_ =	sdelay $0x4  }
0xd: {  	v1 =	vshll.u32 v0, $0x3  }
0xe: {  	v2 =	vlaneseq.u32;
	v3 =	vand.u32 $0x7, v0;
	v1 =	vand.u32 $0xFFFFFFC0, v1  }
0xf: {  	v4 =	vshrl.u32 v2, $0x3;
	v0 =	vand.u32 $0x7, v2;
	v3 =	vor.u32 v3, v1  }
0x10: {  	v1 =	vmul.u32 $0x8, v4;
	v63 =	vperm.xlane v3, v0;
	_ =	sdelay $0x1  }
0x11: {  	v4 =	vadd.s32 v1, v63;
	_ =	sdelay $0x3  }
0x12: {  	vm0 =	vmmov $0xffff;
	s6 =	simm.s32 $0x80  }
0x13: {  	v2 =	vor.u32 $0x8, v2;
	[tilespmem:s6], [sflag:$0x1] =	stream.indirect_vreg.gather [hbm4b:s2+s3], $0x80, v4, vm0, $0xb8;
	[tilespmem:$0x8080] =	vst v63  }
0x14: {  	s8 =	simm.s32 $0x880;
	s7 =	sadd.s32 $0x100, s2;
	v3 =	vperm.xlane v3, v2  }
0x15: {  	[tilespmem:s8], [sflag:$0x1] =	stream.indirect_vreg.gather [hbm4b:s7+s3], $0x80, v4, vm0, $0xb8;
	[tilespmem:$0x8080] =	vst v63  }
0x16: {  	s10 =	simm.s32 $0x1080;
	s9 =	sadd.s32 $0x200, s2;
	v3 =	vadd.s32 v1, v3  }
0x17: {  	[tilespmem:s10], [sflag:$0x1] =	stream.indirect_vreg.gather [hbm4b:s9+s3], $0x80, v4, vm0, $0xb8;
	[tilespmem:$0x8080] =	vst v63  }
0x18: {  	s12 =	simm.s32 $0x1880;
	s11 =	sadd.s32 $0x300, s2  }
0x19: {  	[tilespmem:s12], [sflag:$0x1] =	stream.indirect_vreg.gather [hbm4b:s11+s3], $0x80, v4, vm0, $0xb8;
	[tilespmem:$0x8080] =	vst v63  }
0x1a: {  	s13 =	simm.s32 $0x2080;
	s20 =	ssub.s32 $0x2, s16  }
0x1b: {  	[tilespmem:s13], [sflag:$0x1] =	stream.indirect_vreg.gather [hbm4b:s2+s3], $0x80, v3, vm0, $0xb8;
	[tilespmem:$0x8080] =	vst v63  }
0x1c: {  	s14 =	simm.s32 $0x2880;
	s21 =	sshrl.u32 s20, $0x1  }
0x1d: {  	[tilespmem:s14], [sflag:$0x1] =	stream.indirect_vreg.gather [hbm4b:s7+s3], $0x80, v3, vm0, $0xb8;
	[tilespmem:$0x8080] =	vst v63  }
0x1e: {  	s15 =	simm.s32 $0x3080;
	s20 =	ssub.s32 s20, s21  }
0x1f: {  	[tilespmem:s15], [sflag:$0x1] =	stream.indirect_vreg.gather [hbm4b:s9+s3], $0x80, v3, vm0, $0xb8;
	[tilespmem:$0x8080] =	vst v63  }
0x20: {  	s17 =	simm.s32 $0x1;
	s16 =	simm.s32 $0x3880;
	s20 =	smax.u32 s20, $0x1  }
0x21: {  	[tilespmem:s16], [sflag:$0x1] =	stream.indirect_vreg.gather [hbm4b:s11+s3], $0x80, v3, vm0, $0xb8;
	[tilespmem:$0x8080] =	vst v63  }
0x22: {  	p0 =	sne.s32 s20, $0x1;
	_ =	swait.ge [sflag:s17], $0x4000  }
.Ltmp0:
0x23: {  	s19 =	sshll.u32 s19, $0x7;
	[sflag:s17] =	ssyncset.done $0x0;
	(pc) =	sbr.rel @!p0 .LBB2_2-.Ltmp0, $4  }
0x24: {  	s18 =	sadd.s32 s18, s19;
	s19 =	simm.s32 $0x3;
	[sflag:s17] =	ssyncadd.s32 $0xFFFFC000  }
0x25: {  	[hbm4b:s18+s3] =	stream.linear.scatter [tilespmem:s6], [sflag:$0x3], $0x4000, $0x38;
	[tilespmem:$0x8080] =	vst v63  }
0x26: {  	_ =	swait.ge [sflag:s19], $0x4000  }
0x27: {  	s20 =	sadd.s32 $0xFFFFFFFF, s20;
	[sflag:s19] =	ssyncset.done $0x0  }
.LBB2_1:
0x28: {  	p0 =	sne.s32 s20, $0x1;
	s20 =	sadd.s32 $0xFFFFFFFF, s20;
	[sflag:s19] =	ssyncadd.s32 $0xFFFFC000  }
0x29: {  	[tilespmem:s3], [sflag:$0x5] =	stream.linear.gather [hbm4b:s4+s3], $0x10, $0x38;
	[tilespmem:$0x8080] =	vst v63  }
0x2a: {  	_ =	swait.ge [sflag:s5], $0x10  }
0x2b: {  	[sflag:s5] =	ssyncset.done $0x0  }
0x2c: {  	[sflag:s5] =	ssyncadd.s32 $0xFFFFFFF0  }
0x2d: {  	v3 =	vld [tilespmem:$0x0];
	_ =	sdelay $0x4  }
0x2e: {  	v4 =	vshll.u32 v3, $0x3  }
0x2f: {  	v3 =	vand.u32 $0x7, v3;
	v4 =	vand.u32 $0xFFFFFFC0, v4  }
0x30: {  	v3 =	vor.u32 v3, v4  }
0x31: {  	v4 =	vperm.xlane v3, v0;
	v3 =	vperm.xlane v3, v2;
	_ =	sdelay $0x1  }
0x32: {  	v4 =	vadd.s32 v1, v4;
	_ =	sdelay $0x4  }
0x33: {  	[tilespmem:s6], [sflag:$0x1] =	stream.indirect_vreg.gather [hbm4b:s2+s3], $0x80, v4, vm0, $0xb8;
	[tilespmem:$0x8080] =	vst v63  }
0x34: {  	_ = 	snop  }
0x35: {  	[tilespmem:s8], [sflag:$0x1] =	stream.indirect_vreg.gather [hbm4b:s7+s3], $0x80, v4, vm0, $0xb8;
	[tilespmem:$0x8080] =	vst v63  }
0x36: {  	v3 =	vadd.s32 v1, v3  }
0x37: {  	[tilespmem:s10], [sflag:$0x1] =	stream.indirect_vreg.gather [hbm4b:s9+s3], $0x80, v4, vm0, $0xb8;
	[tilespmem:$0x8080] =	vst v63  }
0x38: {  	_ = 	snop  }
0x39: {  	[tilespmem:s12], [sflag:$0x1] =	stream.indirect_vreg.gather [hbm4b:s11+s3], $0x80, v4, vm0, $0xb8;
	[tilespmem:$0x8080] =	vst v63  }
0x3a: {  	_ = 	snop  }
0x3b: {  	[tilespmem:s13], [sflag:$0x1] =	stream.indirect_vreg.gather [hbm4b:s2+s3], $0x80, v3, vm0, $0xb8;
	[tilespmem:$0x8080] =	vst v63  }
0x3c: {  	_ = 	snop  }
0x3d: {  	[tilespmem:s14], [sflag:$0x1] =	stream.indirect_vreg.gather [hbm4b:s7+s3], $0x80, v3, vm0, $0xb8;
	[tilespmem:$0x8080] =	vst v63  }
0x3e: {  	_ = 	snop  }
0x3f: {  	[tilespmem:s15], [sflag:$0x1] =	stream.indirect_vreg.gather [hbm4b:s9+s3], $0x80, v3, vm0, $0xb8;
	[tilespmem:$0x8080] =	vst v63  }
0x40: {  	_ = 	snop  }
0x41: {  	[tilespmem:s16], [sflag:$0x1] =	stream.indirect_vreg.gather [hbm4b:s11+s3], $0x80, v3, vm0, $0xb8;
	[tilespmem:$0x8080] =	vst v63  }
0x42: {  	_ =	swait.ge [sflag:s17], $0x4000  }
.Ltmp1:
0x43: {  	[sflag:s17] =	ssyncset.done $0x0;
	(pc) =	sbr.rel @p0 .LBB2_1-.Ltmp1, $4  }
0x44: {  	[sflag:s17] =	ssyncadd.s32 $0xFFFFC000  }
0x45: {  	[hbm4b:s18+s3] =	stream.linear.scatter [tilespmem:s6], [sflag:$0x3], $0x4000, $0x38;
	[tilespmem:$0x8080] =	vst v63  }
0x46: {  	_ =	swait.ge [sflag:s19], $0x4000  }
0x47: {  	[sflag:s19] =	ssyncset.done $0x0  }
.LBB2_2:
0x48: {  	[sflag:s19] =	ssyncadd.s32 $0xFFFFC000  }
0x49: {  	_ =	sfence.sel $0x180000  }
0x4a: {  	[bflag:$0x0] =	sbarrier.arrive $0xFFFF  }
0x4b: {  	p0 =	sne.s32 s0, $0x0;
	_ =	strace $0x90000047  }
0x4c: {  	s0 =	sadd.s32 @!p0 $0x100000, s1;
	[bflag:$0x2] =	sbarrier.arrive $0xFFFF  }
0x4d: {  	[sflag:s0] =	ssyncadd.tile.s32 @!p0 $0x1;
	_ =	shalt  }
.Lfunc_end2:
_tile_overlayer_lowered:
.L_overlay_start_2:
0x4e: {  	(tag) =	ssettag $0x2  }
0x4f: {  	s0 =	rddreg [dreg:$0x0];
	s2 =	stileid.u32  }
0x50: {  	s1 =	rddreg [dreg:$0x1];
	p0 =	sne.s32 s2, $0x0  }
0x51: {  	s3 =	rddreg [dreg:$0x2];
	[bflag:$0x3] =	sbarrier.arrive $0xFFFF;
	s2 =	simm.s32 @!p0 $0x1C05  }
0x52: {  	[timem:s3], [sflag:s2] =	dma.local @!p0 [hbm:s0], s1  }
0x53: {  	s0 =	simm.s32 @!p0 $0x5  }
0x54: {  	_ =	swait.ge @!p0 [sflag:s0], s1  }
0x55: {  	s1 =	ssub.s32 @!p0 $0x0, s1;
	[sflag:s0] =	ssyncset.done @!p0 $0x0  }
0x56: {  	[sflag:s0] =	ssyncadd.s32 @!p0 s1  }
0x57: {  	[bflag:$0x3] =	sbarrier.arrive $0xFFFF  }
0x58: {  	_ =	shalt  }

// kernel: kernel.9.cloned.1.call-start
scs
__scs_entry_jumppad:
0x0: {  	(pc) =	sbr.rel $0x88, $3  }
0x1: {  	(tag) =	ssettag $0x0;
	lr =	simm.s32 $0x1  }
0x2: {  	[smem:$0x3F9E] =	sst lr;
	_ =	strace $0xD0000000  }
0x3: {  	_ = 	snop  }
0x4: {  	_ = 	snop  }
0x5: {  	_ = 	snop  }
0x6: {  	_ = 	snop  }
0x7: {  	_ = 	snop  }
__scs_overlays_trampoline_lowered:
0x8: {  	[smem:$0x3FAD] =	sst s0  }
0x9: {  	[smem:$0x3FAE] =	sst s1  }
0xa: {  	[smem:$0x3FAF] =	sst s2  }
0xb: {  	[smem:$0x3FB0] =	sst s3  }
0xc: {  	[smem:$0x3FB1] =	sst s4  }
0xd: {  	[smem:$0x3FB2] =	sst s5  }
0xe: {  	[smem:$0x3FB3] =	sst s6  }
0xf: {  	[smem:$0x3FB4] =	sst s7  }
0x10: {  	[smem:$0x3FB5] =	sst s8  }
0x11: {  	[smem:$0x3FB6] =	sst s9;
	s0 =	simm.s32 @!p0 $0x0  }
0x12: {  	s1 =	sld [smem:$0x3F9C];
	s0 =	simm.s32 @p0 $0x1  }
0x13: {  	[smem:$0x3FB7] =	sst s0;
	s0 =	simm.s32 @!p1 $0x0  }
0x14: {  	s2 =	sld [smem:$0x3F9B];
	s0 =	simm.s32 @p1 $0x1  }
0x15: {  	[smem:$0x3FB8] =	sst s0;
	s0 =	simm.s32 @!p2 $0x0  }
0x16: {  	s3 =	sld [smem:$0x3FDB];
	s0 =	simm.s32 @p2 $0x1  }
0x17: {  	s4 =	simm.s32 $0x1BF5;
	[smem:$0x3FBA] =	sst s0  }
0x18: {  	s0 =	sld [smem:$0x3F9D];
	_ =	swait.ge [sflag:s4], $0x0  }
0x19: {  	s7 =	sld [smem:$0x3F9E]  }
0x1a: {  	s8 =	sadd.s32 $0xFFFFE003, lr  }
0x1b: {  	s9 =	sadd.s32 $0xFFFFFEF7, lr;
	s5 =	simm.s32 $0xFFFFFFFF;
	p2 =	slt.u32 s8, $0xFFFFF086  }
0x1c: {  	p1 =	slt.u32 s9, $0xF7A;
	s5 =	simm.s32 @!p2 $0x0  }
0x1d: {  	s5 =	simm.s32 @p1 $0x1;
	p0 =	seq.s32 s7, s2  }
0x1e: {  	s7 =	smul.u32 @!p0 $0xF7A, s2;
	p2 =	seq.s32 @!p0 s5, $0x0  }
0x1f: {  	s9 =	smul.u32 $0xF7A, s1;
	s8 =	simm.s32 @!p0 $0x1BF5;
	p2 =	por !p2, p0  }
0x20: {  	[sflag:s8] =	ssyncset.s32 @!p0 $0xFFFFF086;
	s6 =	sadd.s32 @!p0 s3, s7;
	s7 =	simm.s32 @!p0 $0x108  }
0x21: {  	s3 =	sadd.s32 s3, s9;
	s6 =	sadd.s32 @!p0 $0x88, s6;
	s7 =	simm.s32 @p2 $0x1082  }
0x22: {  	[simem:s7], [sflag:s8] =	dma.local @!p0 [hbm:s6], $0xF7A  }
0x23: {  	s9 =	sor.u32 $0xD0000000, s2;
	s6 =	simm.s32 $0x108;
	_ =	swait.ge @!p0 [sflag:s8], $0x0  }
0x24: {  	s3 =	sadd.s32 $0x88, s3;
	s6 =	simm.s32 @!p1 $0x1082;
	[sflag:s4] =	ssyncset.s32 $0xFFFFF086  }
0x25: {  	[simem:s6], [sflag:s4] =	dma.local [hbm:s3], $0xF7A  }
0x26: {  	[smem:$0x3F9E] =	sst s1;
	(tag) =	ssettag s2;
	_ =	strace s9  }
0x27: {  	s1 =	sld [smem:$0x3FAE]  }
0x28: {  	s2 =	sld [smem:$0x3FAF]  }
0x29: {  	s4 =	sld [smem:$0x3FB1]  }
0x2a: {  	p0 =	seq.s32 s5, $0x0;
	s5 =	sld [smem:$0x3FB2]  }
0x2b: {  	s6 =	sld [smem:$0x3FB3]  }
0x2c: {  	s7 =	sld [smem:$0x3FB4]  }
0x2d: {  	s3 =	simm.s32 $0x108;
	s8 =	sld [smem:$0x3FB5]  }
0x2e: {  	s3 =	simm.s32 @!p0 $0x1082;
	s9 =	sld [smem:$0x3FB6]  }
0x2f: {  	lr =	sadd.s32 s0, s3;
	s0 =	sld [smem:$0x3FAD]  }
0x30: {  	s3 =	sld [smem:$0x3FB0]  }
0x31: {  	[smem:$0x3FB9] =	sst s10  }
0x32: {  	s10 =	sld [smem:$0x3FB7];
	_ =	sdelay $0x3  }
0x33: {  	p0 =	seq.s32 s10, $0x1;
	s10 =	sld [smem:$0x3FB9];
	_ =	sdelay $0x3  }
0x34: {  	[smem:$0x3FB9] =	sst s10  }
0x35: {  	s10 =	sld [smem:$0x3FB8];
	_ =	sdelay $0x3  }
0x36: {  	p1 =	seq.s32 s10, $0x1;
	s10 =	sld [smem:$0x3FB9];
	_ =	sdelay $0x3  }
0x37: {  	[smem:$0x3FB9] =	sst s10  }
0x38: {  	s10 =	sld [smem:$0x3FBA]  }
0x39: {  	_ = 	snop;
	(pc) =	sbr.ind lr, $3  }
0x3a: {  	_ = 	snop  }
0x3b: {  	_ = 	snop  }
0x3c: {  	p2 =	seq.s32 s10, $0x1;
	s10 =	sld [smem:$0x3FB9]  }
0x3d: {  	_ =	shalt  }
0x3e: {  	_ =	shalt  }
0x3f: {  	_ =	shalt  }
0x40: {  	_ =	shalt  }
0x41: {  	_ =	shalt  }
0x42: {  	_ =	shalt  }
0x43: {  	_ =	shalt  }
0x44: {  	_ =	shalt  }
0x45: {  	_ =	shalt  }
0x46: {  	_ =	shalt  }
0x47: {  	_ =	shalt  }
0x48: {  	_ =	shalt  }
0x49: {  	_ =	shalt  }
0x4a: {  	_ =	shalt  }
0x4b: {  	_ =	shalt  }
0x4c: {  	_ =	shalt  }
0x4d: {  	_ =	shalt  }
0x4e: {  	_ =	shalt  }
0x4f: {  	_ =	shalt  }
0x50: {  	_ =	shalt  }
0x51: {  	_ =	shalt  }
0x52: {  	_ =	shalt  }
0x53: {  	_ =	shalt  }
0x54: {  	_ =	shalt  }
0x55: {  	_ =	shalt  }
0x56: {  	_ =	shalt  }
0x57: {  	_ =	shalt  }
0x58: {  	_ =	shalt  }
0x59: {  	_ =	shalt  }
0x5a: {  	_ =	shalt  }
0x5b: {  	_ =	shalt  }
0x5c: {  	_ =	shalt  }
0x5d: {  	_ =	shalt  }
0x5e: {  	_ =	shalt  }
0x5f: {  	_ =	shalt  }
0x60: {  	_ =	shalt  }
0x61: {  	_ =	shalt  }
0x62: {  	_ =	shalt  }
0x63: {  	_ =	shalt  }
0x64: {  	_ =	shalt  }
0x65: {  	_ =	shalt  }
0x66: {  	_ =	shalt  }
0x67: {  	_ =	shalt  }
0x68: {  	_ =	shalt  }
0x69: {  	_ =	shalt  }
0x6a: {  	_ =	shalt  }
0x6b: {  	_ =	shalt  }
0x6c: {  	_ =	shalt  }
0x6d: {  	_ =	shalt  }
0x6e: {  	_ =	shalt  }
0x6f: {  	_ =	shalt  }
0x70: {  	_ =	shalt  }
0x71: {  	_ =	shalt  }
0x72: {  	_ =	shalt  }
0x73: {  	_ =	shalt  }
0x74: {  	_ =	shalt  }
0x75: {  	_ =	shalt  }
0x76: {  	_ =	shalt  }
0x77: {  	_ =	shalt  }
0x78: {  	_ =	shalt  }
0x79: {  	_ =	shalt  }
0x7a: {  	_ =	shalt  }
0x7b: {  	_ =	shalt  }
0x7c: {  	_ =	shalt  }
0x7d: {  	_ =	shalt  }
0x7e: {  	_ =	shalt  }
0x7f: {  	_ =	shalt  }
0x80: {  	_ =	shalt  }
0x81: {  	_ =	shalt  }
0x82: {  	_ =	shalt  }
0x83: {  	_ =	shalt  }
0x84: {  	_ =	shalt  }
0x85: {  	_ =	shalt  }
0x86: {  	_ =	shalt  }
0x87: {  	_ =	shalt  }
.Lfunc_end0:
.L_simem_size_0:
called_computation.1_lowered:
.L_overlay_start_0:
0x88: {  	s2 =	sld [smem:$0x3FD9]  }
0x89: {  	s3 =	sld [smem:$0x3FFE];
	_ =	sdelay $0x1  }
0x8a: {  	s1 =	srdreg.scid  }
0x8b: {  	s0 =	sand.u32 $0x1, s1  }
0x8c: {  	s17 =	sshll.u32 s0, $0xA;
	s2 =	sadd.s32 s3, s2  }
0x8d: {  	s2 =	sadd.s32 s2, s17  }
0x8e: {  	[smem:$0x3FC5] =	sst s2  }
0x8f: {  	_ = 	snop  }
0x90: {  	s18 =	sld [smem:$0x3FC7];
	(tm) =	ssettm $0x1  }
0x91: {  	s19 =	sld [smem:$0x3FFB];
	_ =	sdelay $0x3  }
0x92: {  	_ =	strace s19  }
0x93: {  	s2 =	sld [smem:$0x3FFC];
	_ =	sdelay $0x3  }
0x94: {  	_ =	strace s2  }
0x95: {  	s2 =	sld [smem:$0x3FFD];
	_ =	sdelay $0x3  }
0x96: {  	_ =	strace s2  }
0x97: {  	_ =	strace $0x8FFFFFFF  }
0x98: {  	s20 =	sld [smem:$0x3FDB];
	_ =	sdelay $0x1  }
0x99: {  	s4 =	simm.s32 $_scs_section_size  }
0x9a: {  	s5 =	simm.s32 $_size__tile_overlayer_lowered;
	s6 =	simm.s32 $_tile_overlayer_lowered  }
0x9b: {  	s7 =	simm.s32 $0x1BFF;
	s21 =	sshll.u32 s6, $0x1;
	s4 =	sadd.s32 s4, s20  }
0x9c: {  	s22 =	simm.s32 $0x0;
	s5 =	sshll.u32 s5, $0x1;
	s6 =	sadd.s32 s21, s4  }
0x9d: {  	[timem:s22], [sflag:s7] =	dma.local [hbm:s6], s5  }
0x9e: {  	_ =	swait.ge [sflag:s7], s5  }
0x9f: {  	s5 =	ssub.s32 $0x0, s5;
	[sflag:s7] =	ssyncset.done $0x0  }
0xa0: {  	[sflag:s7] =	ssyncadd.s32 s5;
	_ =	sdelay $0x1  }
0xa1: {  	s23 =	simm.s32 $0x1B8B  }
0xa2: {  	_ =	swait.ge [sflag:s23], $0x1  }
0xa3: {  	[sflag:s23] =	ssyncset.done $0x0  }
0xa4: {  	[sflag:s23] =	ssyncadd.s32 $0xFFFFFFFF  }
0xa5: {  	s5 =	sld [smem:$0x0]  }
0xa6: {  	s6 =	sand.u32 $0xFFFFFFFE, s1  }
0xa7: {  	p0 =	sne.s32 s1, s6  }
0xa8: {  	s6 =	sshll.u32 @p0 s6, $0xE  }
0xa9: {  	s6 =	sadd.s32 @p0 $0x11B8D, s6;
	s7 =	sshll.u32 @p0 s5, $0x11  }
0xaa: {  	s6 =	sor.u32 @p0 s7, s6  }
0xab: {  	[sflag:s6] =	ssyncadd.remote.s32 @p0 $0x1;
	_ =	sdelay $0x1  }
0xac: {  	s6 =	simm.s32 @p0 $0x1B8D  }
0xad: {  	_ =	swait.eq @p0 [sflag:s6], $0x1  }
0xae: {  	[sflag:s6] =	ssyncadd.s32 @p0 $0xFFFFFFFF  }
0xaf: {  	s7 =	sshll.u32 @!p0 s1, $0xE  }
0xb0: {  	s7 =	sor.u32 @!p0 $0x4000, s7;
	s6 =	simm.s32 @!p0 $0x1B8D  }
0xb1: {  	s5 =	sshll.u32 @!p0 s5, $0x11;
	s7 =	sadd.s32 @!p0 $0x11B8D, s7;
	_ =	swait.eq @!p0 [sflag:s6], $0x1  }
0xb2: {  	s5 =	sor.u32 @!p0 s5, s7;
	[sflag:s6] =	ssyncadd.s32 @!p0 $0xFFFFFFFF  }
0xb3: {  	s25 =	simm.s32 $0x1B8E;
	s24 =	sld [smem:$0x3FFE];
	[sflag:s5] =	ssyncadd.remote.s32 @!p0 $0x1  }
0xb4: {  	s26 =	simm.s32 $execute0_lowered;
	[smem:$0x3FD2] =	sst s25  }
0xb5: {  	s6 =	sshll.u32 s26, $0x1;
	_ =	strace $0x80000049;
	[dreg:$0x1] =	wrdreg $0xFFFFFFFF  }
0xb6: {  	s28 =	simm.s32 $_size_execute0_lowered;
	s4 =	sadd.s32 s4, s6;
	[dreg:$0x0] =	wrdreg $0x0  }
0xb7: {  	s6 =	sshll.u32 s28, $0x1;
	[dreg:$0x2] =	wrdreg s4  }
0xb8: {  	[dreg:$0x3] =	wrdreg s6  }
0xb9: {  	[dreg:$0x4] =	wrdreg $0xC0  }
0xba: {  	_ =	task [dreg:s22], $0x5FFFF  }
0xbb: {  	[dreg:$0x1] =	wrdreg $0xFFFFFFFF  }
0xbc: {  	[dreg:$0x0] =	wrdreg $0x60  }
0xbd: {  	[dreg:$0x2] =	wrdreg s24  }
0xbe: {  	[dreg:$0x3] =	wrdreg s18  }
0xbf: {  	[dreg:$0x4] =	wrdreg $0xA  }
0xc0: {  	_ =	task.clear_ibuf [dreg:s22], $0x5FFFF;
	_ =	strace $0x90000049  }
0xc1: {  	s29 =	simm.s32 $0xA;
	_ =	strace $0x8000004B  }
0xc2: {  	_ =	swait.ge [sflag:s29], $0x1  }
0xc3: {  	[sflag:s29] =	ssyncadd.s32 $0xFFFFFFFF  }
0xc4: {  	_ =	strace $0x9000004B  }
0xc5: {  	_ =	sfence  }
0xc6: {  	s30 =	sld [smem:$0x0];
	_ =	sdelay $0x2  }
0xc7: {  	s31 =	sshll.u32 s1, $0xD;
	s1 =	sshrl.u32 s1, $0x2  }
0xc8: {  	s4 =	sand.u32 $0x4000, s31;
	s1 =	sadd.s32 s1, s30  }
0xc9: {  	s0 =	sor.u32 s4, s0;
	s1 =	sshll.u32 s1, $0x11  }
0xca: {  	s0 =	sor.u32 s1, s0  }
0xcb: {  	s0 =	sadd.s32 $0x8F2B, s0  }
0xcc: {  	[sflag:s0] =	ssyncadd.remote.s32 $0x1  }
0xcd: {  	_ =	sfence.sel $0xFFFF  }
0xce: {  	[dreg:$0x0] =	wrdreg $0xFFFFFFFF;
	(pc) =	sbr.abs _section_cstart, $3  }
0xcf: {  	[dreg:$0x1] =	wrdreg $0xFFFFFFFF  }
0xd0: {  	_ =	task.clear_ibuf [dreg:s22], $0x2FFFF;
	_ =	strace $0x9FFFFFFF  }
0xd1: {  	(tm) =	ssettm $0x7FFFFFFF  }
tec
execute0_lowered:
.L_overlay_start_1:
0x0: {  	(tag) =	ssettag $0x1  }
0x1: {  	s1 =	srdreg.scid;
	s0 =	stileid.u32  }
0x2: {  	s4 =	rddreg [dreg:$0x0];
	s3 =	simm.s32 $0x0;
	s11 =	simm.s32 $0x5  }
0x3: {  	s12 =	simm.s32 $0x80;
	s13 =	simm.s32 $0x880;
	s14 =	simm.s32 $0x1080  }
0x4: {  	s15 =	simm.s32 $0x1880;
	s16 =	simm.s32 $0x2080;
	s17 =	simm.s32 $0x2880  }
0x5: {  	s18 =	simm.s32 $0x3080;
	s19 =	simm.s32 $0x3880;
	s20 =	simm.s32 $0x4080  }
0x6: {  	s21 =	simm.s32 $0x4880;
	s28 =	simm.s32 $0x7880;
	s29 =	simm.s32 $0x1  }
0x7: {  	s30 =	simm.s32 $0x3;
	s1 =	sand.u32 $0x1, s1;
	s2 =	sshll.u32 s0, $0x1  }
0x8: {  	s31 =	simm.s32 $0x2;
	[smem:$0x7FF] =	sst s3;
	s5 =	sor.u32 s1, s2  }
0x9: {  	s2 =	rddreg [dreg:$0x1];
	s1 =	ssub.s32 $0x2, s1;
	s6 =	smul.u32 $0xE, s5  }
0xa: {  	_ =	strace $0x8000004A;
	s5 =	smul.u32 $0x1C000, s5;
	s23 =	sshrl.u32 s1, $0x1  }
0xb: {  	s1 =	ssub.s32 s1, s23;
	s23 =	simm.s32 $0x5880;
	s6 =	sadd.s32 s6, s4  }
0xc: {  	s5 =	sshrl.u32 s5, $0x3;
	s7 =	smax.u32 s1, $0x1;
	s1 =	simm.s32 $0x4  }
0xd: {  	s10 =	sadd.s32 s5, s4;
	s22 =	sadd.s32 $0x1000, s6;
	s4 =	sadd.s32 $0x100, s2  }
0xe: {  	s5 =	sadd.s32 $0x200, s2;
	[dreg:$0x3] =	wrdreg s22;
	s24 =	sadd.s32 $0x1200, s10  }
0xf: {  	s6 =	sadd.s32 $0x300, s2;
	s25 =	sadd.s32 $0x1A00, s10;
	[dreg:$0x4] =	wrdreg s24  }
0x10: {  	s26 =	sadd.s32 $0x2200, s10;
	s8 =	sadd.s32 $0x2A00, s10;
	[dreg:$0x5] =	wrdreg s25  }
0x11: {  	v2 =	vlaneseq.u32;
	s9 =	sadd.s32 $0x3A00, s10;
	s22 =	simm.s32 $0x5080;
	[dreg:$0x6] =	wrdreg s26  }
0x12: {  	vm0 =	vmmov $0xffff;
	v1 =	vshrl.u32 v2, $0x3;
	[dreg:$0x7] =	wrdreg s8;
	s8 =	sadd.s32 $0x3200, s10;
	s10 =	sadd.s32 $0x4200, s10  }
0x13: {  	v0 =	vand.u32 $0x7, v2;
	v2 =	vor.u32 $0x8, v2;
	v1 =	vmul.u32 $0x8, v1;
	s24 =	simm.s32 $0x6080;
	s25 =	simm.s32 $0x6880;
	s26 =	simm.s32 $0x7080  }
.LBB2_1:
0x14: {  	s0 =	rddreg [dreg:$0x3]  }
0x15: {  	[tilespmem:s3], [sflag:$0x5] =	stream.linear.gather [hbm4b:s0+s3], $0x70, $0x38;
	[tilespmem:$0x8080] =	vst v63  }
0x16: {  	_ =	swait.ge [sflag:s11], $0x70  }
0x17: {  	[sflag:s11] =	ssyncset.done $0x0  }
0x18: {  	[sflag:s11] =	ssyncadd.s32 $0xFFFFFF90  }
0x19: {  	v3 =	vld [tilespmem:$0x0];
	_ =	sdelay $0x4  }
0x1a: {  	v4 =	vshll.u32 v3, $0x3  }
0x1b: {  	v3 =	vand.u32 $0x7, v3;
	v4 =	vand.u32 $0xFFFFFFC0, v4  }
0x1c: {  	v3 =	vor.u32 v3, v4  }
0x1d: {  	v4 =	vperm.xlane v3, v0;
	_ =	sdelay $0x1  }
0x1e: {  	v4 =	vadd.s32 v1, v4;
	_ =	sdelay $0x4  }
0x1f: {  	[tilespmem:s12], [sflag:$0x1] =	stream.indirect_vreg.gather [hbm4b:s2+s3], $0x80, v4, vm0, $0xb8;
	[tilespmem:$0x8080] =	vst v63  }
0x20: {  	v3 =	vperm.xlane v3, v2  }
0x21: {  	[tilespmem:s13], [sflag:$0x1] =	stream.indirect_vreg.gather [hbm4b:s4+s3], $0x80, v4, vm0, $0xb8;
	[tilespmem:$0x8080] =	vst v63  }
0x22: {  	v3 =	vadd.s32 v1, v3  }
0x23: {  	[tilespmem:s14], [sflag:$0x1] =	stream.indirect_vreg.gather [hbm4b:s5+s3], $0x80, v4, vm0, $0xb8;
	[tilespmem:$0x8080] =	vst v63  }
0x24: {  	_ = 	snop  }
0x25: {  	[tilespmem:s15], [sflag:$0x1] =	stream.indirect_vreg.gather [hbm4b:s6+s3], $0x80, v4, vm0, $0xb8;
	[tilespmem:$0x8080] =	vst v63  }
0x26: {  	_ = 	snop  }
0x27: {  	[tilespmem:s16], [sflag:$0x1] =	stream.indirect_vreg.gather [hbm4b:s2+s3], $0x80, v3, vm0, $0xb8;
	[tilespmem:$0x8080] =	vst v63  }
0x28: {  	_ = 	snop  }
0x29: {  	[tilespmem:s17], [sflag:$0x1] =	stream.indirect_vreg.gather [hbm4b:s4+s3], $0x80, v3, vm0, $0xb8;
	[tilespmem:$0x8080] =	vst v63  }
0x2a: {  	_ = 	snop  }
0x2b: {  	[tilespmem:s18], [sflag:$0x1] =	stream.indirect_vreg.gather [hbm4b:s5+s3], $0x80, v3, vm0, $0xb8;
	[tilespmem:$0x8080] =	vst v63  }
0x2c: {  	_ = 	snop  }
0x2d: {  	[tilespmem:s19], [sflag:$0x1] =	stream.indirect_vreg.gather [hbm4b:s6+s3], $0x80, v3, vm0, $0xb8;
	[tilespmem:$0x8080] =	vst v63  }
0x2e: {  	v3 =	vld [tilespmem:$0x10];
	_ =	sdelay $0x4  }
0x2f: {  	v58 =	vshll.u32 v3, $0x3  }
0x30: {  	v3 =	vand.u32 $0x7, v3;
	v4 =	vand.u32 $0xFFFFFFC0, v58  }
0x31: {  	v3 =	vor.u32 v3, v4  }
0x32: {  	v4 =	vperm.xlane v3, v0;
	_ =	sdelay $0x1  }
0x33: {  	v4 =	vadd.s32 v1, v4;
	_ =	sdelay $0x4  }
0x34: {  	[tilespmem:s20], [sflag:$0x2] =	stream.indirect_vreg.gather [hbm4b:s2+s3], $0x80, v4, vm0, $0xb8;
	[tilespmem:$0x8080] =	vst v63  }
0x35: {  	v3 =	vperm.xlane v3, v2  }
0x36: {  	[tilespmem:s21], [sflag:$0x2] =	stream.indirect_vreg.gather [hbm4b:s4+s3], $0x80, v4, vm0, $0xb8;
	[tilespmem:$0x8080] =	vst v63  }
0x37: {  	v3 =	vadd.s32 v1, v3  }
0x38: {  	[tilespmem:s22], [sflag:$0x2] =	stream.indirect_vreg.gather [hbm4b:s5+s3], $0x80, v4, vm0, $0xb8;
	[tilespmem:$0x8080] =	vst v63  }
0x39: {  	_ = 	snop  }
0x3a: {  	[tilespmem:s23], [sflag:$0x2] =	stream.indirect_vreg.gather [hbm4b:s6+s3], $0x80, v4, vm0, $0xb8;
	[tilespmem:$0x8080] =	vst v63  }
0x3b: {  	_ = 	snop  }
0x3c: {  	[tilespmem:s24], [sflag:$0x2] =	stream.indirect_vreg.gather [hbm4b:s2+s3], $0x80, v3, vm0, $0xb8;
	[tilespmem:$0x8080] =	vst v63  }
0x3d: {  	_ = 	snop  }
0x3e: {  	[tilespmem:s25], [sflag:$0x2] =	stream.indirect_vreg.gather [hbm4b:s4+s3], $0x80, v3, vm0, $0xb8;
	[tilespmem:$0x8080] =	vst v63  }
0x3f: {  	_ = 	snop  }
0x40: {  	[tilespmem:s26], [sflag:$0x2] =	stream.indirect_vreg.gather [hbm4b:s5+s3], $0x80, v3, vm0, $0xb8;
	[tilespmem:$0x8080] =	vst v63  }
0x41: {  	_ = 	snop  }
0x42: {  	[tilespmem:s28], [sflag:$0x2] =	stream.indirect_vreg.gather [hbm4b:s6+s3], $0x80, v3, vm0, $0xb8;
	[tilespmem:$0x8080] =	vst v63  }
0x43: {  	_ =	swait.ge [sflag:s29], $0x4000  }
0x44: {  	[sflag:s29] =	ssyncset.done $0x0  }
0x45: {  	s0 =	rddreg [dreg:$0x4];
	[sflag:s29] =	ssyncadd.s32 $0xFFFFC000  }
0x46: {  	[hbm4b:s0+s3] =	stream.linear.scatter [tilespmem:s12], [sflag:$0x3], $0x4000, $0x38;
	[tilespmem:$0x8080] =	vst v63  }
0x47: {  	_ =	swait.ge [sflag:s30], $0x4000  }
0x48: {  	[sflag:s30] =	ssyncset.done $0x0  }
0x49: {  	[sflag:s30] =	ssyncadd.s32 $0xFFFFC000  }
0x4a: {  	v3 =	vld [tilespmem:$0x20];
	_ =	sdelay $0x4  }
0x4b: {  	v59 =	vshll.u32 v3, $0x3  }
0x4c: {  	v3 =	vand.u32 $0x7, v3;
	v4 =	vand.u32 $0xFFFFFFC0, v59  }
0x4d: {  	v3 =	vor.u32 v3, v4  }
0x4e: {  	v4 =	vperm.xlane v3, v0;
	_ =	sdelay $0x1  }
0x4f: {  	v4 =	vadd.s32 v1, v4;
	_ =	sdelay $0x4  }
0x50: {  	[tilespmem:s12], [sflag:$0x1] =	stream.indirect_vreg.gather [hbm4b:s2+s3], $0x80, v4, vm0, $0xb8;
	[tilespmem:$0x8080] =	vst v63  }
0x51: {  	v3 =	vperm.xlane v3, v2  }
0x52: {  	[tilespmem:s13], [sflag:$0x1] =	stream.indirect_vreg.gather [hbm4b:s4+s3], $0x80, v4, vm0, $0xb8;
	[tilespmem:$0x8080] =	vst v63  }
0x53: {  	v3 =	vadd.s32 v1, v3  }
0x54: {  	[tilespmem:s14], [sflag:$0x1] =	stream.indirect_vreg.gather [hbm4b:s5+s3], $0x80, v4, vm0, $0xb8;
	[tilespmem:$0x8080] =	vst v63  }
0x55: {  	_ = 	snop  }
0x56: {  	[tilespmem:s15], [sflag:$0x1] =	stream.indirect_vreg.gather [hbm4b:s6+s3], $0x80, v4, vm0, $0xb8;
	[tilespmem:$0x8080] =	vst v63  }
0x57: {  	_ = 	snop  }
0x58: {  	[tilespmem:s16], [sflag:$0x1] =	stream.indirect_vreg.gather [hbm4b:s2+s3], $0x80, v3, vm0, $0xb8;
	[tilespmem:$0x8080] =	vst v63  }
0x59: {  	_ = 	snop  }
0x5a: {  	[tilespmem:s17], [sflag:$0x1] =	stream.indirect_vreg.gather [hbm4b:s4+s3], $0x80, v3, vm0, $0xb8;
	[tilespmem:$0x8080] =	vst v63  }
0x5b: {  	_ = 	snop  }
0x5c: {  	[tilespmem:s18], [sflag:$0x1] =	stream.indirect_vreg.gather [hbm4b:s5+s3], $0x80, v3, vm0, $0xb8;
	[tilespmem:$0x8080] =	vst v63  }
0x5d: {  	_ = 	snop  }
0x5e: {  	[tilespmem:s19], [sflag:$0x1] =	stream.indirect_vreg.gather [hbm4b:s6+s3], $0x80, v3, vm0, $0xb8;
	[tilespmem:$0x8080] =	vst v63  }
0x5f: {  	_ =	swait.ge [sflag:s31], $0x4000  }
0x60: {  	[sflag:s31] =	ssyncset.done $0x0  }
0x61: {  	s0 =	rddreg [dreg:$0x5];
	[sflag:s31] =	ssyncadd.s32 $0xFFFFC000  }
0x62: {  	[hbm4b:s0+s3] =	stream.linear.scatter [tilespmem:s20], [sflag:$0x4], $0x4000, $0x38;
	[tilespmem:$0x8080] =	vst v63  }
0x63: {  	_ =	swait.ge [sflag:s1], $0x4000  }
0x64: {  	[sflag:s1] =	ssyncset.done $0x0  }
0x65: {  	[sflag:s1] =	ssyncadd.s32 $0xFFFFC000  }
0x66: {  	v3 =	vld [tilespmem:$0x30];
	_ =	sdelay $0x4  }
0x67: {  	v60 =	vshll.u32 v3, $0x3  }
0x68: {  	v3 =	vand.u32 $0x7, v3;
	v4 =	vand.u32 $0xFFFFFFC0, v60  }
0x69: {  	v3 =	vor.u32 v3, v4  }
0x6a: {  	v4 =	vperm.xlane v3, v0;
	_ =	sdelay $0x1  }
0x6b: {  	v4 =	vadd.s32 v1, v4;
	_ =	sdelay $0x4  }
0x6c: {  	[tilespmem:s20], [sflag:$0x2] =	stream.indirect_vreg.gather [hbm4b:s2+s3], $0x80, v4, vm0, $0xb8;
	[tilespmem:$0x8080] =	vst v63  }
0x6d: {  	v3 =	vperm.xlane v3, v2  }
0x6e: {  	[tilespmem:s21], [sflag:$0x2] =	stream.indirect_vreg.gather [hbm4b:s4+s3], $0x80, v4, vm0, $0xb8;
	[tilespmem:$0x8080] =	vst v63  }
0x6f: {  	v3 =	vadd.s32 v1, v3  }
0x70: {  	[tilespmem:s22], [sflag:$0x2] =	stream.indirect_vreg.gather [hbm4b:s5+s3], $0x80, v4, vm0, $0xb8;
	[tilespmem:$0x8080] =	vst v63  }
0x71: {  	_ = 	snop  }
0x72: {  	[tilespmem:s23], [sflag:$0x2] =	stream.indirect_vreg.gather [hbm4b:s6+s3], $0x80, v4, vm0, $0xb8;
	[tilespmem:$0x8080] =	vst v63  }
0x73: {  	_ = 	snop  }
0x74: {  	[tilespmem:s24], [sflag:$0x2] =	stream.indirect_vreg.gather [hbm4b:s2+s3], $0x80, v3, vm0, $0xb8;
	[tilespmem:$0x8080] =	vst v63  }
0x75: {  	_ = 	snop  }
0x76: {  	[tilespmem:s25], [sflag:$0x2] =	stream.indirect_vreg.gather [hbm4b:s4+s3], $0x80, v3, vm0, $0xb8;
	[tilespmem:$0x8080] =	vst v63  }
0x77: {  	_ = 	snop  }
0x78: {  	[tilespmem:s26], [sflag:$0x2] =	stream.indirect_vreg.gather [hbm4b:s5+s3], $0x80, v3, vm0, $0xb8;
	[tilespmem:$0x8080] =	vst v63  }
0x79: {  	_ = 	snop  }
0x7a: {  	[tilespmem:s28], [sflag:$0x2] =	stream.indirect_vreg.gather [hbm4b:s6+s3], $0x80, v3, vm0, $0xb8;
	[tilespmem:$0x8080] =	vst v63  }
0x7b: {  	_ =	swait.ge [sflag:s29], $0x4000  }
0x7c: {  	[sflag:s29] =	ssyncset.done $0x0  }
0x7d: {  	s0 =	rddreg [dreg:$0x6];
	[sflag:s29] =	ssyncadd.s32 $0xFFFFC000  }
0x7e: {  	[hbm4b:s0+s3] =	stream.linear.scatter [tilespmem:s12], [sflag:$0x3], $0x4000, $0x38;
	[tilespmem:$0x8080] =	vst v63  }
0x7f: {  	_ =	swait.ge [sflag:s30], $0x4000  }
0x80: {  	[sflag:s30] =	ssyncset.done $0x0  }
0x81: {  	[sflag:s30] =	ssyncadd.s32 $0xFFFFC000  }
0x82: {  	v3 =	vld [tilespmem:$0x40];
	_ =	sdelay $0x4  }
0x83: {  	v61 =	vshll.u32 v3, $0x3  }
0x84: {  	v3 =	vand.u32 $0x7, v3;
	v4 =	vand.u32 $0xFFFFFFC0, v61  }
0x85: {  	v3 =	vor.u32 v3, v4  }
0x86: {  	v4 =	vperm.xlane v3, v0;
	_ =	sdelay $0x1  }
0x87: {  	v4 =	vadd.s32 v1, v4;
	_ =	sdelay $0x4  }
0x88: {  	[tilespmem:s12], [sflag:$0x1] =	stream.indirect_vreg.gather [hbm4b:s2+s3], $0x80, v4, vm0, $0xb8;
	[tilespmem:$0x8080] =	vst v63  }
0x89: {  	v3 =	vperm.xlane v3, v2  }
0x8a: {  	[tilespmem:s13], [sflag:$0x1] =	stream.indirect_vreg.gather [hbm4b:s4+s3], $0x80, v4, vm0, $0xb8;
	[tilespmem:$0x8080] =	vst v63  }
0x8b: {  	v3 =	vadd.s32 v1, v3  }
0x8c: {  	[tilespmem:s14], [sflag:$0x1] =	stream.indirect_vreg.gather [hbm4b:s5+s3], $0x80, v4, vm0, $0xb8;
	[tilespmem:$0x8080] =	vst v63  }
0x8d: {  	_ = 	snop  }
0x8e: {  	[tilespmem:s15], [sflag:$0x1] =	stream.indirect_vreg.gather [hbm4b:s6+s3], $0x80, v4, vm0, $0xb8;
	[tilespmem:$0x8080] =	vst v63  }
0x8f: {  	_ = 	snop  }
0x90: {  	[tilespmem:s16], [sflag:$0x1] =	stream.indirect_vreg.gather [hbm4b:s2+s3], $0x80, v3, vm0, $0xb8;
	[tilespmem:$0x8080] =	vst v63  }
0x91: {  	_ = 	snop  }
0x92: {  	[tilespmem:s17], [sflag:$0x1] =	stream.indirect_vreg.gather [hbm4b:s4+s3], $0x80, v3, vm0, $0xb8;
	[tilespmem:$0x8080] =	vst v63  }
0x93: {  	_ = 	snop  }
0x94: {  	[tilespmem:s18], [sflag:$0x1] =	stream.indirect_vreg.gather [hbm4b:s5+s3], $0x80, v3, vm0, $0xb8;
	[tilespmem:$0x8080] =	vst v63  }
0x95: {  	_ = 	snop  }
0x96: {  	[tilespmem:s19], [sflag:$0x1] =	stream.indirect_vreg.gather [hbm4b:s6+s3], $0x80, v3, vm0, $0xb8;
	[tilespmem:$0x8080] =	vst v63  }
0x97: {  	_ =	swait.ge [sflag:s31], $0x4000  }
0x98: {  	[sflag:s31] =	ssyncset.done $0x0  }
0x99: {  	s0 =	rddreg [dreg:$0x7];
	[sflag:s31] =	ssyncadd.s32 $0xFFFFC000  }
0x9a: {  	[hbm4b:s0+s3] =	stream.linear.scatter [tilespmem:s20], [sflag:$0x4], $0x4000, $0x38;
	[tilespmem:$0x8080] =	vst v63  }
0x9b: {  	_ =	swait.ge [sflag:s1], $0x4000  }
0x9c: {  	[sflag:s1] =	ssyncset.done $0x0  }
0x9d: {  	[sflag:s1] =	ssyncadd.s32 $0xFFFFC000  }
0x9e: {  	v3 =	vld [tilespmem:$0x50];
	_ =	sdelay $0x4  }
0x9f: {  	v62 =	vshll.u32 v3, $0x3  }
0xa0: {  	v3 =	vand.u32 $0x7, v3;
	v4 =	vand.u32 $0xFFFFFFC0, v62  }
0xa1: {  	v3 =	vor.u32 v3, v4  }
0xa2: {  	v4 =	vperm.xlane v3, v0;
	_ =	sdelay $0x1  }
0xa3: {  	v4 =	vadd.s32 v1, v4;
	_ =	sdelay $0x4  }
0xa4: {  	[tilespmem:s20], [sflag:$0x2] =	stream.indirect_vreg.gather [hbm4b:s2+s3], $0x80, v4, vm0, $0xb8;
	[tilespmem:$0x8080] =	vst v63  }
0xa5: {  	v3 =	vperm.xlane v3, v2  }
0xa6: {  	[tilespmem:s21], [sflag:$0x2] =	stream.indirect_vreg.gather [hbm4b:s4+s3], $0x80, v4, vm0, $0xb8;
	[tilespmem:$0x8080] =	vst v63  }
0xa7: {  	v3 =	vadd.s32 v1, v3  }
0xa8: {  	[tilespmem:s22], [sflag:$0x2] =	stream.indirect_vreg.gather [hbm4b:s5+s3], $0x80, v4, vm0, $0xb8;
	[tilespmem:$0x8080] =	vst v63  }
0xa9: {  	_ = 	snop  }
0xaa: {  	[tilespmem:s23], [sflag:$0x2] =	stream.indirect_vreg.gather [hbm4b:s6+s3], $0x80, v4, vm0, $0xb8;
	[tilespmem:$0x8080] =	vst v63  }
0xab: {  	_ = 	snop  }
0xac: {  	[tilespmem:s24], [sflag:$0x2] =	stream.indirect_vreg.gather [hbm4b:s2+s3], $0x80, v3, vm0, $0xb8;
	[tilespmem:$0x8080] =	vst v63  }
0xad: {  	_ = 	snop  }
0xae: {  	[tilespmem:s25], [sflag:$0x2] =	stream.indirect_vreg.gather [hbm4b:s4+s3], $0x80, v3, vm0, $0xb8;
	[tilespmem:$0x8080] =	vst v63  }
0xaf: {  	_ = 	snop  }
0xb0: {  	[tilespmem:s26], [sflag:$0x2] =	stream.indirect_vreg.gather [hbm4b:s5+s3], $0x80, v3, vm0, $0xb8;
	[tilespmem:$0x8080] =	vst v63  }
0xb1: {  	_ = 	snop  }
0xb2: {  	[tilespmem:s28], [sflag:$0x2] =	stream.indirect_vreg.gather [hbm4b:s6+s3], $0x80, v3, vm0, $0xb8;
	[tilespmem:$0x8080] =	vst v63  }
0xb3: {  	_ =	swait.ge [sflag:s29], $0x4000  }
0xb4: {  	[sflag:s29] =	ssyncset.done $0x0  }
0xb5: {  	[sflag:s29] =	ssyncadd.s32 $0xFFFFC000  }
0xb6: {  	[hbm4b:s8+s3] =	stream.linear.scatter [tilespmem:s12], [sflag:$0x3], $0x4000, $0x38;
	[tilespmem:$0x8080] =	vst v63  }
0xb7: {  	_ =	swait.ge [sflag:s30], $0x4000  }
0xb8: {  	[sflag:s30] =	ssyncset.done $0x0  }
0xb9: {  	[sflag:s30] =	ssyncadd.s32 $0xFFFFC000  }
0xba: {  	v3 =	vld [tilespmem:$0x60];
	_ =	sdelay $0x4  }
0xbb: {  	v63 =	vshll.u32 v3, $0x3  }
0xbc: {  	v3 =	vand.u32 $0x7, v3;
	v4 =	vand.u32 $0xFFFFFFC0, v63  }
0xbd: {  	v3 =	vor.u32 v3, v4  }
0xbe: {  	v4 =	vperm.xlane v3, v0;
	_ =	sdelay $0x1  }
0xbf: {  	v4 =	vadd.s32 v1, v4;
	_ =	sdelay $0x4  }
0xc0: {  	[tilespmem:s12], [sflag:$0x1] =	stream.indirect_vreg.gather [hbm4b:s2+s3], $0x80, v4, vm0, $0xb8;
	[tilespmem:$0x8080] =	vst v63  }
0xc1: {  	v3 =	vperm.xlane v3, v2  }
0xc2: {  	[tilespmem:s13], [sflag:$0x1] =	stream.indirect_vreg.gather [hbm4b:s4+s3], $0x80, v4, vm0, $0xb8;
	[tilespmem:$0x8080] =	vst v63  }
0xc3: {  	v3 =	vadd.s32 v1, v3  }
0xc4: {  	[tilespmem:s14], [sflag:$0x1] =	stream.indirect_vreg.gather [hbm4b:s5+s3], $0x80, v4, vm0, $0xb8;
	[tilespmem:$0x8080] =	vst v63  }
0xc5: {  	_ = 	snop  }
0xc6: {  	[tilespmem:s15], [sflag:$0x1] =	stream.indirect_vreg.gather [hbm4b:s6+s3], $0x80, v4, vm0, $0xb8;
	[tilespmem:$0x8080] =	vst v63  }
0xc7: {  	_ = 	snop  }
0xc8: {  	[tilespmem:s16], [sflag:$0x1] =	stream.indirect_vreg.gather [hbm4b:s2+s3], $0x80, v3, vm0, $0xb8;
	[tilespmem:$0x8080] =	vst v63  }
0xc9: {  	_ = 	snop  }
0xca: {  	[tilespmem:s17], [sflag:$0x1] =	stream.indirect_vreg.gather [hbm4b:s4+s3], $0x80, v3, vm0, $0xb8;
	[tilespmem:$0x8080] =	vst v63  }
0xcb: {  	_ = 	snop  }
0xcc: {  	[tilespmem:s18], [sflag:$0x1] =	stream.indirect_vreg.gather [hbm4b:s5+s3], $0x80, v3, vm0, $0xb8;
	[tilespmem:$0x8080] =	vst v63  }
0xcd: {  	_ = 	snop  }
0xce: {  	[tilespmem:s19], [sflag:$0x1] =	stream.indirect_vreg.gather [hbm4b:s6+s3], $0x80, v3, vm0, $0xb8;
	[tilespmem:$0x8080] =	vst v63  }
0xcf: {  	_ =	swait.ge [sflag:s31], $0x4000  }
0xd0: {  	[sflag:s31] =	ssyncset.done $0x0  }
0xd1: {  	[sflag:s31] =	ssyncadd.s32 $0xFFFFC000  }
0xd2: {  	[hbm4b:s9+s3] =	stream.linear.scatter [tilespmem:s20], [sflag:$0x4], $0x4000, $0x38;
	[tilespmem:$0x8080] =	vst v63  }
0xd3: {  	_ =	swait.ge [sflag:s29], $0x4000  }
0xd4: {  	[sflag:s29] =	ssyncset.done $0x0  }
0xd5: {  	[sflag:s29] =	ssyncadd.s32 $0xFFFFC000  }
0xd6: {  	[hbm4b:s10+s3] =	stream.linear.scatter [tilespmem:s12], [sflag:$0x3], $0x4000, $0x38;
	[tilespmem:$0x8080] =	vst v63  }
0xd7: {  	p0 =	sne.s32 s7, $0x1;
	_ =	swait.ge [sflag:s1], $0x4000  }
.Ltmp0:
0xd8: {  	[sflag:s1] =	ssyncset.done $0x0;
	(pc) =	sbr.rel @p0 .LBB2_1-.Ltmp0, $4  }
0xd9: {  	[sflag:s1] =	ssyncadd.s32 $0xFFFFC000  }
0xda: {  	_ =	swait.ge [sflag:s30], $0x4000  }
0xdb: {  	[sflag:s30] =	ssyncset.done $0x0  }
0xdc: {  	s7 =	sadd.s32 $0xFFFFFFFF, s7;
	[sflag:s30] =	ssyncadd.s32 $0xFFFFC000  }
0xdd: {  	_ =	sfence.sel $0x180000  }
0xde: {  	[bflag:$0x0] =	sbarrier.arrive $0xFFFF  }
0xdf: {  	_ =	strace $0x9000004A  }
0xe0: {  	s0 =	stileid.u32;
	[bflag:$0x2] =	sbarrier.arrive $0xFFFF  }
0xe1: {  	p0 =	sne.s32 s0, $0x0;
	s0 =	rddreg [dreg:$0x2]  }
0xe2: {  	s0 =	sadd.s32 @!p0 $0x100000, s0  }
0xe3: {  	[sflag:s0] =	ssyncadd.tile.s32 @!p0 $0x1;
	_ =	shalt  }
.Lfunc_end2:
_tile_overlayer_lowered:
.L_overlay_start_2:
0xe4: {  	(tag) =	ssettag $0x2  }
0xe5: {  	s0 =	rddreg [dreg:$0x0];
	s2 =	stileid.u32  }
0xe6: {  	s1 =	rddreg [dreg:$0x1];
	p0 =	sne.s32 s2, $0x0  }
0xe7: {  	s3 =	rddreg [dreg:$0x2];
	[bflag:$0x3] =	sbarrier.arrive $0xFFFF;
	s2 =	simm.s32 @!p0 $0x1C05  }
0xe8: {  	[timem:s3], [sflag:s2] =	dma.local @!p0 [hbm:s0], s1  }
0xe9: {  	s0 =	simm.s32 @!p0 $0x5  }
0xea: {  	_ =	swait.ge @!p0 [sflag:s0], s1  }
0xeb: {  	s1 =	ssub.s32 @!p0 $0x0, s1;
	[sflag:s0] =	ssyncset.done @!p0 $0x0  }
0xec: {  	[sflag:s0] =	ssyncadd.s32 @!p0 s1  }
0xed: {  	[bflag:$0x3] =	sbarrier.arrive $0xFFFF  }
0xee: {  	_ =	shalt  }

</sc_bundles>
